<compile_context>
chip_gen: v7x
topology: tpu7x:2x2x1
jax: 0.10.2.dev20260603
libtpu: 0.0.44.dev20260713+nightly
codegen_flags: <defaults>
</compile_context>

<pallas_src>
import jax
import jax.numpy as jnp
from jax import lax
from jax.experimental import pallas as pl
from jax.experimental.pallas import tpu as pltpu
from jax.experimental.pallas import tpu_sc as plsc

NUM_FIELDS = 26
VOCAB = 100000
EMB = 16
BATCH = 16384
INPUT_DIM = NUM_FIELDS * EMB

NC, NS, L = 2, 16, 16
NW = NC * NS
PLANES = INPUT_DIM
PPW = PLANES // NW
NGRP = BATCH // L
UNROLL = 16
CH = 4096
NCH = BATCH // CH
CHG = CH // L


def _sc_gather_body(x_hbm, t1_hbm, t2_hbm, out2_hbm, out1_hbm,
                    plane_v, idx_v, val0_v, val1_v, sem_p, sem_x, sem_o0, sem_o1):
    wid = lax.axis_index("s") * NC + lax.axis_index("c")
    osems = (sem_o0, sem_o1)
    vbufs = (val0_v, val1_v)

    def gather_plane(out_row):
        for c in range(NCH):
            vb = vbufs[c % 2]

            dst = out_row.at[pl.ds(c * CH, CH)]
            if c >= 2:
                pltpu.make_async_copy(vb, out_row.at[pl.ds((c - 2) * CH, CH)],
                                      osems[c % 2]).wait()

            @plsc.parallel_loop(0, CHG, unroll=UNROLL)
            def _(g):
                idx = idx_v[pl.ds((c * CHG + g) * L, L)]
                val = plsc.load_gather(plane_v, [idx])
                vb[pl.ds(g * L, L)] = plsc.bitcast(val, jnp.int32)

            pltpu.async_copy(vb, dst, osems[c % 2])
        for c in range(NCH - 2, NCH):
            pltpu.make_async_copy(vbufs[c % 2],
                                  out_row.at[pl.ds(c * CH, CH)],
                                  osems[c % 2]).wait()

    def stage_x(f):
        pltpu.async_copy(x_hbm.at[f], idx_v, sem_x).wait()

    f0 = (wid * PPW) // EMB
    pltpu.async_copy(t2_hbm.at[f0, (wid * PPW) % EMB], plane_v, sem_p)
    stage_x(f0)

    def plane_body(i, carry):
        fd = wid * PPW + i
        f = fd // EMB
        d = fd % EMB

        @pl.when((i > 0) & (d == 0))
        def _():
            stage_x(f)

        pltpu.make_async_copy(t2_hbm.at[f, d], plane_v, sem_p).wait()
        gather_plane(out2_hbm.at[fd])

        nfd = fd + 1

        @pl.when(i + 1 < PPW)
        def _():
            pltpu.async_copy(t2_hbm.at[nfd // EMB, nfd % EMB], plane_v, sem_p)

        @pl.when((i + 1 == PPW) & (wid < NUM_FIELDS))
        def _():
            pltpu.async_copy(t1_hbm.at[wid, 0], plane_v, sem_p)

        return carry

    lax.fori_loop(0, PPW, plane_body, 0)

    @pl.when(wid < NUM_FIELDS)
    def _():
        stage_x(wid)
        pltpu.make_async_copy(t1_hbm.at[wid, 0], plane_v, sem_p).wait()
        gather_plane(out1_hbm.at[wid])


@jax.jit
def _sc_gather(x_t, t1_t, t2_t):
    mesh = plsc.VectorSubcoreMesh(core_axis_name="c", subcore_axis_name="s",
                                  num_cores=NC, num_subcores=NS)
    return pl.kernel(
        _sc_gather_body,
        out_type=[
            jax.ShapeDtypeStruct((PLANES, BATCH), jnp.int32),
            jax.ShapeDtypeStruct((NUM_FIELDS, BATCH), jnp.int32),
        ],
        mesh=mesh,
        scratch_types=[
            pltpu.VMEM((VOCAB,), jnp.float32),
            pltpu.VMEM((BATCH,), jnp.int32),
            pltpu.VMEM((CH,), jnp.int32),
            pltpu.VMEM((CH,), jnp.int32),
            pltpu.SemaphoreType.DMA,
            pltpu.SemaphoreType.DMA,
            pltpu.SemaphoreType.DMA,
            pltpu.SemaphoreType.DMA,
        ],
        compiler_params=pltpu.CompilerParams(use_tc_tiling_on_sc=True,
                                             needs_layout_passes=False),
    )(x_t, t1_t, t2_t)


def _tc_dense_body(emb_ref, e1_ref, w1_ref, b1_ref, w2_ref, b2_ref,
                   w3_ref, b3_ref, out_ref):
    e = emb_ref[...]
    d = lax.broadcasted_iota(jnp.int32, (EMB, INPUT_DIM), 0)
    k = lax.broadcasted_iota(jnp.int32, (EMB, INPUT_DIM), 1)
    s_mat = ((k % EMB) == d).astype(jnp.float32)
    sum_emb = jnp.dot(s_mat, e, preferred_element_type=jnp.float32)
    fm2 = 0.5 * (jnp.sum(sum_emb * sum_emb, axis=0, keepdims=True)
                 - jnp.sum(e * e, axis=0, keepdims=True))
    fm1 = jnp.sum(e1_ref[...], axis=0, keepdims=True)
    h = jnp.dot(w1_ref[...], e, preferred_element_type=jnp.float32)
    h = jnp.maximum(h + b1_ref[...], 0.0)
    h = jnp.dot(w2_ref[...], h, preferred_element_type=jnp.float32)
    h = jnp.maximum(h + b2_ref[...], 0.0)
    dnn = jnp.dot(w3_ref[...], h, preferred_element_type=jnp.float32)
    total = fm1 + fm2 + dnn + b3_ref[...]
    out_ref[...] = jax.nn.sigmoid(total)


def _tc_dense(emb_t, e1_t, w1f, b1f, w2f, b2f, w3f, b3f):
    bt = 4096
    grid = (BATCH // bt,)
    full = lambda shape: pl.BlockSpec(shape, lambda i: (0, 0))
    return pl.pallas_call(
        _tc_dense_body,
        grid=grid,
        in_specs=[
            pl.BlockSpec((INPUT_DIM, bt), lambda i: (0, i)),
            pl.BlockSpec((NUM_FIELDS, bt), lambda i: (0, i)),
            full((32, INPUT_DIM)),
            full((32, 1)),
            full((16, 32)),
            full((16, 1)),
            full((1, 16)),
            full((1, 1)),
        ],
        out_specs=pl.BlockSpec((1, bt), lambda i: (0, i)),
        out_shape=jax.ShapeDtypeStruct((1, BATCH), jnp.float32),
    )(emb_t, e1_t, w1f, b1f, w2f, b2f, w3f, b3f)


def kernel(x, first_tables, second_tables, W1, b1, g1, be1, rm1, rv1,
           W2, b2, g2, be2, rm2, rv2, W3, b3):
    eps = 1e-5
    x_t = x.T
    t1_t = first_tables.transpose(0, 2, 1)
    t2_t = second_tables.transpose(0, 2, 1)

    emb_i, e1_i = _sc_gather(x_t, t1_t, t2_t)
    emb_t = lax.bitcast_convert_type(emb_i, jnp.float32)
    e1_t = lax.bitcast_convert_type(e1_i, jnp.float32)

    a1 = g1 / jnp.sqrt(rv1 + eps)
    w1f = W1 * a1[:, None]
    b1f = ((b1 - rm1) * a1 + be1)[:, None]
    a2 = g2 / jnp.sqrt(rv2 + eps)
    w2f = W2 * a2[:, None]
    b2f = ((b2 - rm2) * a2 + be2)[:, None]

    out = _tc_dense(emb_t, e1_t, w1f, b1f, w2f, b2f, W3, b3[:, None])
    return out.reshape(BATCH, 1)

# --- scband reference (transcript-rebuilt; emitter-appended) ---
"""Pipeline reference for scband-deep-fm-69672959475827 (READ-ONLY COPY).

The authoritative reference and input builder live on the scoring server;
editing this copy changes nothing except your own understanding.
"""

import jax, jax.numpy as jnp
import numpy as np

NUM_FIELDS = 26
VOCAB = 100000
EMB = 16
BATCH = 16384
H1, H2 = 32, 16
INPUT_DIM = NUM_FIELDS * EMB


def setup_inputs(seed: int = 0) -> dict:
    key = jax.random.key(seed)
    ks = jax.random.split(key, 20)
    x = jax.random.randint(ks[0], (BATCH, NUM_FIELDS), 0, VOCAB, dtype=jnp.int32)
    first_tables = jax.random.normal(ks[1], (NUM_FIELDS, VOCAB, 1), dtype=jnp.float32) * 0.01
    second_tables = jax.random.normal(ks[2], (NUM_FIELDS, VOCAB, EMB), dtype=jnp.float32) * 0.01
    W1 = jax.random.normal(ks[3], (H1, INPUT_DIM), dtype=jnp.float32) * 0.05
    b1 = jnp.zeros((H1,), dtype=jnp.float32)
    g1 = jnp.ones((H1,), dtype=jnp.float32)
    be1 = jnp.zeros((H1,), dtype=jnp.float32)
    rm1 = jnp.zeros((H1,), dtype=jnp.float32)
    rv1 = jnp.ones((H1,), dtype=jnp.float32)
    W2 = jax.random.normal(ks[4], (H2, H1), dtype=jnp.float32) * 0.05
    b2 = jnp.zeros((H2,), dtype=jnp.float32)
    g2 = jnp.ones((H2,), dtype=jnp.float32)
    be2 = jnp.zeros((H2,), dtype=jnp.float32)
    rm2 = jnp.zeros((H2,), dtype=jnp.float32)
    rv2 = jnp.ones((H2,), dtype=jnp.float32)
    W3 = jax.random.normal(ks[5], (1, H2), dtype=jnp.float32) * 0.05
    b3 = jnp.zeros((1,), dtype=jnp.float32)
    return {"x": x, "first_tables": first_tables, "second_tables": second_tables,
            "W1": W1, "b1": b1, "g1": g1, "be1": be1, "rm1": rm1, "rv1": rv1,
            "W2": W2, "b2": b2, "g2": g2, "be2": be2, "rm2": rm2, "rv2": rv2,
            "W3": W3, "b3": b3}


def reference(x, first_tables, second_tables, W1, b1, g1, be1, rm1, rv1,
              W2, b2, g2, be2, rm2, rv2, W3, b3):
    eps = 1e-5
    # per-field embedding gathers: out[b, f] = table[f, x[b, f]]
    gather = jax.vmap(lambda t, ix: jnp.take(t, ix, axis=0), in_axes=(0, 1), out_axes=1)
    emb1 = gather(first_tables, x)   # (B, F, 1)
    emb2 = gather(second_tables, x)  # (B, F, EMB)
    # FM first order
    fm_first = jnp.sum(emb1[..., 0], axis=1, keepdims=True)  # (B, 1)
    # FM second order (sum-square minus square-sum trick)
    sum_emb = jnp.sum(emb2, axis=1)            # (B, EMB)
    sum_emb_square = sum_emb * sum_emb
    square_emb_sum = jnp.sum(emb2 * emb2, axis=1)
    fm_second = 0.5 * jnp.sum(sum_emb_square - square_emb_sum, axis=1, keepdims=True)
    # DNN (eval mode: BN uses running stats, dropout is identity)
    h = emb2.reshape(-1, INPUT_DIM)
    h = h @ W1.T + b1
    h = (h - rm1) / jnp.sqrt(rv1 + eps) * g1 + be1
    h = jax.nn.relu(h)
    h = h @ W2.T + b2
    h = (h - rm2) / jnp.sqrt(rv2 + eps) * g2 + be2
    h = jax.nn.relu(h)
    dnn_out = h @ W3.T + b3
    total = fm_first + fm_second + dnn_out
    return jax.nn.sigmoid(total)

if __name__ == "__main__":
    import jax
    _d = setup_inputs()
    print(jax.jit(kernel)(*tuple(_d.values())))

</pallas_src>

<mosaic_0001>
#map = affine_map<(d0, d1) -> (0, 0)>
#map1 = affine_map<(d0, d1) -> (0, 0, 0)>
module attributes {stable_mosaic.version = 14 : i64} {
  func.func @_sc_gather_body(%arg0: i32, %arg1: i32, %arg2: memref<26x16384xi32, #tpu.memory_space<hbm>>, %arg3: memref<26x1x100000xf32, #tpu.memory_space<hbm>>, %arg4: memref<26x16x100000xf32, #tpu.memory_space<hbm>>, %arg5: memref<416x16384xi32, #tpu.memory_space<hbm>>, %arg6: memref<26x16384xi32, #tpu.memory_space<hbm>>, %arg7: memref<100000xf32, #tpu.memory_space<vmem>>, %arg8: memref<16384xi32, #tpu.memory_space<vmem>>, %arg9: memref<4096xi32, #tpu.memory_space<vmem>>, %arg10: memref<4096xi32, #tpu.memory_space<vmem>>, %arg11: memref<!tpu.dma_semaphore, #tpu.memory_space<semaphore_mem>>, %arg12: memref<!tpu.dma_semaphore, #tpu.memory_space<semaphore_mem>>, %arg13: memref<!tpu.dma_semaphore, #tpu.memory_space<semaphore_mem>>, %arg14: memref<!tpu.dma_semaphore, #tpu.memory_space<semaphore_mem>>) attributes {dimension_semantics = [#tpu.dimension_semantics<core_parallel>, #tpu.dimension_semantics<subcore_parallel>], iteration_bounds = array<i64: 2, 16>, scalar_prefetch = 0 : i64, scratch_operands = 8 : i64, tpu.core_type = #tpu.core_type<sc_vector_subcore>, window_params = [{transform_indices = #map}, {transform_indices = #map1}, {transform_indices = #map1}, {transform_indices = #map}, {transform_indices = #map}]} {
    %mul3A = arith.constant 2 : i32
    %mul3A_0 = arith.muli %arg1, %mul3A : i32
    %add3A = arith.addi %mul3A_0, %arg0 : i32
    %mul3A_1 = arith.constant 13 : i32
    %mul3A_2 = arith.muli %add3A, %mul3A_1 : i32
    %jit3A = arith.constant 16 : i32
    %div3A = arith.divsi %mul3A_2, %jit3A : i32
    %sign3A = arith.constant 0 : i32
    %sign3A_3 = arith.cmpi sgt, %mul3A_2, %sign3A : i32
    %sign3A_4 = arith.extui %sign3A_3 : i1 to i32
    %sign3A_5 = arith.constant 0 : i32
    %sign3A_6 = arith.cmpi slt, %mul3A_2, %sign3A_5 : i32
    %sign3A_7 = arith.extui %sign3A_6 : i1 to i32
    %sign3A_8 = arith.subi %sign3A_4, %sign3A_7 : i32
    %sign3A_9 = arith.constant 0 : i32
    %sign3A_10 = arith.cmpi sgt, %jit3A, %sign3A_9 : i32
    %sign3A_11 = arith.extui %sign3A_10 : i1 to i32
    %sign3A_12 = arith.constant 0 : i32
    %sign3A_13 = arith.cmpi slt, %jit3A, %sign3A_12 : i32
    %sign3A_14 = arith.extui %sign3A_13 : i1 to i32
    %sign3A_15 = arith.subi %sign3A_11, %sign3A_14 : i32
    %ne3A = arith.cmpi ne, %sign3A_8, %sign3A_15 : i32
    %rem3A = arith.remsi %mul3A_2, %jit3A : i32
    %ne3A_16 = arith.constant 0 : i32
    %ne3A_17 = arith.cmpi ne, %rem3A, %ne3A_16 : i32
    %and3A = arith.andi %ne3A, %ne3A_17 : i1
    %sub3A = arith.constant 1 : i32
    %sub3A_18 = arith.subi %div3A, %sub3A : i32
    %select_n3A = arith.select %and3A, %sub3A_18, %div3A : i32
    %mul3A_19 = arith.constant 13 : i32
    %mul3A_20 = arith.muli %add3A, %mul3A_19 : i32
    %jit3A_21 = arith.constant 16 : i32
    %eq3A = arith.constant 0 : i32
    %eq3A_22 = arith.cmpi eq, %jit3A_21, %eq3A : i32
    %jit3A_23 = arith.constant 1 : i32
    %select_n3A_24 = arith.select %eq3A_22, %jit3A_23, %jit3A_21 : i32
    %rem3A_25 = arith.remsi %mul3A_20, %select_n3A_24 : i32
    %ne3A_26 = arith.constant 0 : i32
    %ne3A_27 = arith.cmpi ne, %rem3A_25, %ne3A_26 : i32
    %lt3A = arith.constant 0 : i32
    %lt3A_28 = arith.cmpi slt, %rem3A_25, %lt3A : i32
    %lt3A_29 = arith.constant 0 : i32
    %lt3A_30 = arith.cmpi slt, %select_n3A_24, %lt3A_29 : i32
    %ne3A_31 = arith.xori %lt3A_28, %lt3A_30 : i1
    %and3A_32 = arith.andi %ne3A_31, %ne3A_27 : i1
    %add3A_33 = arith.addi %rem3A_25, %select_n3A_24 : i32
    %select_n3A_34 = arith.select %and3A_32, %add3A_33, %rem3A_25 : i32
    %dma_start3A = arith.constant 0 : i32
    %dma_start3A_35 = tpu.memref_slice %arg4[%select_n3A, %select_n3A_34, %dma_start3A] : memref<26x16x100000xf32, #tpu.memory_space<hbm>> -> memref<1x1x100000xf32, #tpu.memory_space<hbm>>
    %dma_start3A_36 = tpu.memref_squeeze %dma_start3A_35 : memref<1x1x100000xf32, #tpu.memory_space<hbm>> -> memref<100000xf32, #tpu.memory_space<hbm>>
    %dma_start3A_37 = arith.constant 0 : i32
    %dma_start3A_38 = tpu.memref_slice %arg4[%select_n3A, %select_n3A_34, %dma_start3A_37] : memref<26x16x100000xf32, #tpu.memory_space<hbm>> -> memref<1x1x100000xf32, #tpu.memory_space<hbm>>
    %dma_start3A_39 = tpu.memref_squeeze %dma_start3A_38 : memref<1x1x100000xf32, #tpu.memory_space<hbm>> -> memref<100000xf32, #tpu.memory_space<hbm>>
    tpu.enqueue_dma source(%dma_start3A_39 : memref<100000xf32, #tpu.memory_space<hbm>>) target(%arg7 : memref<100000xf32, #tpu.memory_space<vmem>>) target_semaphore(%arg11 : memref<!tpu.dma_semaphore, #tpu.memory_space<semaphore_mem>>)
    %dma_start3A_40 = arith.constant 0 : i32
    %dma_start3A_41 = tpu.memref_slice %arg2[%select_n3A, %dma_start3A_40] : memref<26x16384xi32, #tpu.memory_space<hbm>> -> memref<1x16384xi32, #tpu.memory_space<hbm>>
    %dma_start3A_42 = tpu.memref_squeeze %dma_start3A_41 : memref<1x16384xi32, #tpu.memory_space<hbm>> -> memref<16384xi32, #tpu.memory_space<hbm>>
    %dma_start3A_43 = arith.constant 0 : i32
    %dma_start3A_44 = tpu.memref_slice %arg2[%select_n3A, %dma_start3A_43] : memref<26x16384xi32, #tpu.memory_space<hbm>> -> memref<1x16384xi32, #tpu.memory_space<hbm>>
    %dma_start3A_45 = tpu.memref_squeeze %dma_start3A_44 : memref<1x16384xi32, #tpu.memory_space<hbm>> -> memref<16384xi32, #tpu.memory_space<hbm>>
    tpu.enqueue_dma source(%dma_start3A_45 : memref<16384xi32, #tpu.memory_space<hbm>>) target(%arg8 : memref<16384xi32, #tpu.memory_space<vmem>>) target_semaphore(%arg12 : memref<!tpu.dma_semaphore, #tpu.memory_space<semaphore_mem>>)
    %dma_wait3A = arith.constant 0 : i32
    %dma_wait3A_46 = tpu.memref_slice %arg2[%select_n3A, %dma_wait3A] : memref<26x16384xi32, #tpu.memory_space<hbm>> -> memref<1x16384xi32, #tpu.memory_space<hbm>>
    %dma_wait3A_47 = tpu.memref_squeeze %dma_wait3A_46 : memref<1x16384xi32, #tpu.memory_space<hbm>> -> memref<16384xi32, #tpu.memory_space<hbm>>
    %dma_wait3A_48 = arith.constant 0 : i32
    %dma_wait3A_49 = tpu.memref_slice %arg2[%select_n3A, %dma_wait3A_48] : memref<26x16384xi32, #tpu.memory_space<hbm>> -> memref<1x16384xi32, #tpu.memory_space<hbm>>
    %dma_wait3A_50 = tpu.memref_squeeze %dma_wait3A_49 : memref<1x16384xi32, #tpu.memory_space<hbm>> -> memref<16384xi32, #tpu.memory_space<hbm>>
    tpu.wait_dma2 semaphore(%arg12 : memref<!tpu.dma_semaphore, #tpu.memory_space<semaphore_mem>>) src(%dma_wait3A_50 : memref<16384xi32, #tpu.memory_space<hbm>>) dst(%arg8 : memref<16384xi32, #tpu.memory_space<vmem>>)
    %scan3A = arith.constant 0 : i32
    %scan3A_51 = arith.constant 0 : i32
    %scan3A_52 = arith.constant 13 : i32
    %scan3A_53 = arith.addi %scan3A_51, %scan3A_52 : i32
    %scan3A_54 = arith.constant 1 : i32
    scf.for %scan3A_59 = %scan3A_51 to %scan3A_53 step %scan3A_54  : i32 {
      %mul3A_60 = arith.constant 13 : i32
      %mul3A_61 = arith.muli %add3A, %mul3A_60 : i32
      %add3A_62 = arith.addi %mul3A_61, %scan3A_59 : i32
      %jit3A_63 = arith.constant 16 : i32
      %div3A_64 = arith.divsi %add3A_62, %jit3A_63 : i32
      %sign3A_65 = arith.constant 0 : i32
      %sign3A_66 = arith.cmpi sgt, %add3A_62, %sign3A_65 : i32
      %sign3A_67 = arith.extui %sign3A_66 : i1 to i32
      %sign3A_68 = arith.constant 0 : i32
      %sign3A_69 = arith.cmpi slt, %add3A_62, %sign3A_68 : i32
      %sign3A_70 = arith.extui %sign3A_69 : i1 to i32
      %sign3A_71 = arith.subi %sign3A_67, %sign3A_70 : i32
      %sign3A_72 = arith.constant 0 : i32
      %sign3A_73 = arith.cmpi sgt, %jit3A_63, %sign3A_72 : i32
      %sign3A_74 = arith.extui %sign3A_73 : i1 to i32
      %sign3A_75 = arith.constant 0 : i32
      %sign3A_76 = arith.cmpi slt, %jit3A_63, %sign3A_75 : i32
      %sign3A_77 = arith.extui %sign3A_76 : i1 to i32
      %sign3A_78 = arith.subi %sign3A_74, %sign3A_77 : i32
      %ne3A_79 = arith.cmpi ne, %sign3A_71, %sign3A_78 : i32
      %rem3A_80 = arith.remsi %add3A_62, %jit3A_63 : i32
      %ne3A_81 = arith.constant 0 : i32
      %ne3A_82 = arith.cmpi ne, %rem3A_80, %ne3A_81 : i32
      %and3A_83 = arith.andi %ne3A_79, %ne3A_82 : i1
      %sub3A_84 = arith.constant 1 : i32
      %sub3A_85 = arith.subi %div3A_64, %sub3A_84 : i32
      %select_n3A_86 = arith.select %and3A_83, %sub3A_85, %div3A_64 : i32
      %jit3A_87 = arith.constant 16 : i32
      %eq3A_88 = arith.constant 0 : i32
      %eq3A_89 = arith.cmpi eq, %jit3A_87, %eq3A_88 : i32
      %jit3A_90 = arith.constant 1 : i32
      %select_n3A_91 = arith.select %eq3A_89, %jit3A_90, %jit3A_87 : i32
      %rem3A_92 = arith.remsi %add3A_62, %select_n3A_91 : i32
      %ne3A_93 = arith.constant 0 : i32
      %ne3A_94 = arith.cmpi ne, %rem3A_92, %ne3A_93 : i32
      %lt3A_95 = arith.constant 0 : i32
      %lt3A_96 = arith.cmpi slt, %rem3A_92, %lt3A_95 : i32
      %lt3A_97 = arith.constant 0 : i32
      %lt3A_98 = arith.cmpi slt, %select_n3A_91, %lt3A_97 : i32
      %ne3A_99 = arith.xori %lt3A_96, %lt3A_98 : i1
      %and3A_100 = arith.andi %ne3A_99, %ne3A_94 : i1
      %add3A_101 = arith.addi %rem3A_92, %select_n3A_91 : i32
      %select_n3A_102 = arith.select %and3A_100, %add3A_101, %rem3A_92 : i32
      %gt3A = arith.constant 0 : i32
      %gt3A_103 = arith.cmpi sgt, %scan3A_59, %gt3A : i32
      %eq3A_104 = arith.constant 0 : i32
      %eq3A_105 = arith.cmpi eq, %select_n3A_102, %eq3A_104 : i32
      %and3A_106 = arith.andi %gt3A_103, %eq3A_105 : i1
      %convert_element_type3A_107 = arith.extui %and3A_106 : i1 to i32
      %cond3A_108 = arith.constant 0 : i32
      %cond3A_109 = arith.cmpi ne, %convert_element_type3A_107, %cond3A_108 : i32
      scf.if %cond3A_109 {
        %dma_start3A_226 = arith.constant 0 : i32
        %dma_start3A_227 = tpu.memref_slice %arg2[%select_n3A_86, %dma_start3A_226] : memref<26x16384xi32, #tpu.memory_space<hbm>> -> memref<1x16384xi32, #tpu.memory_space<hbm>>
        %dma_start3A_228 = tpu.memref_squeeze %dma_start3A_227 : memref<1x16384xi32, #tpu.memory_space<hbm>> -> memref<16384xi32, #tpu.memory_space<hbm>>
        %dma_start3A_229 = arith.constant 0 : i32
        %dma_start3A_230 = tpu.memref_slice %arg2[%select_n3A_86, %dma_start3A_229] : memref<26x16384xi32, #tpu.memory_space<hbm>> -> memref<1x16384xi32, #tpu.memory_space<hbm>>
        %dma_start3A_231 = tpu.memref_squeeze %dma_start3A_230 : memref<1x16384xi32, #tpu.memory_space<hbm>> -> memref<16384xi32, #tpu.memory_space<hbm>>
        tpu.enqueue_dma source(%dma_start3A_231 : memref<16384xi32, #tpu.memory_space<hbm>>) target(%arg8 : memref<16384xi32, #tpu.memory_space<vmem>>) target_semaphore(%arg12 : memref<!tpu.dma_semaphore, #tpu.memory_space<semaphore_mem>>)
        %dma_wait3A_232 = arith.constant 0 : i32
        %dma_wait3A_233 = tpu.memref_slice %arg2[%select_n3A_86, %dma_wait3A_232] : memref<26x16384xi32, #tpu.memory_space<hbm>> -> memref<1x16384xi32, #tpu.memory_space<hbm>>
        %dma_wait3A_234 = tpu.memref_squeeze %dma_wait3A_233 : memref<1x16384xi32, #tpu.memory_space<hbm>> -> memref<16384xi32, #tpu.memory_space<hbm>>
        %dma_wait3A_235 = arith.constant 0 : i32
        %dma_wait3A_236 = tpu.memref_slice %arg2[%select_n3A_86, %dma_wait3A_235] : memref<26x16384xi32, #tpu.memory_space<hbm>> -> memref<1x16384xi32, #tpu.memory_space<hbm>>
        %dma_wait3A_237 = tpu.memref_squeeze %dma_wait3A_236 : memref<1x16384xi32, #tpu.memory_space<hbm>> -> memref<16384xi32, #tpu.memory_space<hbm>>
        tpu.wait_dma2 semaphore(%arg12 : memref<!tpu.dma_semaphore, #tpu.memory_space<semaphore_mem>>) src(%dma_wait3A_237 : memref<16384xi32, #tpu.memory_space<hbm>>) dst(%arg8 : memref<16384xi32, #tpu.memory_space<vmem>>)
      } else {
      }
      %dma_wait3A_110 = arith.constant 0 : i32
      %dma_wait3A_111 = tpu.memref_slice %arg4[%select_n3A_86, %select_n3A_102, %dma_wait3A_110] : memref<26x16x100000xf32, #tpu.memory_space<hbm>> -> memref<1x1x100000xf32, #tpu.memory_space<hbm>>
      %dma_wait3A_112 = tpu.memref_squeeze %dma_wait3A_111 : memref<1x1x100000xf32, #tpu.memory_space<hbm>> -> memref<100000xf32, #tpu.memory_space<hbm>>
      %dma_wait3A_113 = arith.constant 0 : i32
      %dma_wait3A_114 = tpu.memref_slice %arg4[%select_n3A_86, %select_n3A_102, %dma_wait3A_113] : memref<26x16x100000xf32, #tpu.memory_space<hbm>> -> memref<1x1x100000xf32, #tpu.memory_space<hbm>>
      %dma_wait3A_115 = tpu.memref_squeeze %dma_wait3A_114 : memref<1x1x100000xf32, #tpu.memory_space<hbm>> -> memref<100000xf32, #tpu.memory_space<hbm>>
      tpu.wait_dma2 semaphore(%arg11 : memref<!tpu.dma_semaphore, #tpu.memory_space<semaphore_mem>>) src(%dma_wait3A_115 : memref<100000xf32, #tpu.memory_space<hbm>>) dst(%arg7 : memref<100000xf32, #tpu.memory_space<vmem>>)
      %parallel_loop3A = arith.constant 0 : i32
      %parallel_loop3A_116 = arith.constant 256 : i32
      %parallel_loop3A_117 = arith.constant 1 : i32
      scf.for %parallel_loop3A_226 = %parallel_loop3A to %parallel_loop3A_116 step %parallel_loop3A_117  : i32 {
        %parallel_loop3A_227 = arith.constant 0 : i32
        %parallel_loop3A_228 = arith.addi %parallel_loop3A_227, %parallel_loop3A_226 : i32
        %parallel_loop3A_229 = arith.constant 16 : i32
        %parallel_loop3A_230 = arith.muli %parallel_loop3A_228, %parallel_loop3A_229 : i32
        %parallel_loop3A_231 = arith.index_cast %parallel_loop3A_230 : i32 to index
        %parallel_loop3A_232 = tpu.vector_load %arg8[%parallel_loop3A_231] {strides = array<i32>} : memref<16384xi32, #tpu.memory_space<vmem>>, vector<16xi32>,
        %parallel_loop3A_233 = tpu.vector_load_idx %arg7[%parallel_loop3A_232] : memref<100000xf32, #tpu.memory_space<vmem>>[vector<16xi32>], vector<16xf32>,
        %parallel_loop3A_234 = vector.bitcast %parallel_loop3A_233 : vector<16xf32> to vector<16xi32>
        %parallel_loop3A_235 = arith.constant 16 : i32
        %parallel_loop3A_236 = arith.muli %parallel_loop3A_226, %parallel_loop3A_235 : i32
        %parallel_loop3A_237 = arith.index_cast %parallel_loop3A_236 : i32 to index
        %parallel_loop3A_238 = tpu.vector_load %arg9[%parallel_loop3A_237] {strides = array<i32>} : memref<4096xi32, #tpu.memory_space<vmem>>, vector<16xi32>,
        tpu.vector_store %arg9[%parallel_loop3A_237], %parallel_loop3A_234 {strides = array<i32>} : memref<4096xi32, #tpu.memory_space<vmem>>, vector<16xi32>,
      } {sc.loop_unroll_factor = 16 : i64, sc.parallel_access}
      %dma_start3A_118 = arith.constant 0 : i32
      %dma_start3A_119 = tpu.memref_slice %arg5[%add3A_62, %dma_start3A_118] : memref<416x16384xi32, #tpu.memory_space<hbm>> -> memref<1x16384xi32, #tpu.memory_space<hbm>>
      %dma_start3A_120 = tpu.memref_squeeze %dma_start3A_119 : memref<1x16384xi32, #tpu.memory_space<hbm>> -> memref<16384xi32, #tpu.memory_space<hbm>>
      %dma_start3A_121 = arith.constant 0 : i32
      %dma_start3A_122 = tpu.memref_slice %dma_start3A_120[%dma_start3A_121] : memref<16384xi32, #tpu.memory_space<hbm>> -> memref<4096xi32, #tpu.memory_space<hbm>>
      %dma_start3A_123 = arith.constant 0 : i32
      %dma_start3A_124 = tpu.memref_slice %arg5[%add3A_62, %dma_start3A_123] : memref<416x16384xi32, #tpu.memory_space<hbm>> -> memref<1x16384xi32, #tpu.memory_space<hbm>>
      %dma_start3A_125 = tpu.memref_squeeze %dma_start3A_124 : memref<1x16384xi32, #tpu.memory_space<hbm>> -> memref<16384xi32, #tpu.memory_space<hbm>>
      %dma_start3A_126 = arith.constant 0 : i32
      %dma_start3A_127 = tpu.memref_slice %dma_start3A_125[%dma_start3A_126] : memref<16384xi32, #tpu.memory_space<hbm>> -> memref<4096xi32, #tpu.memory_space<hbm>>
      tpu.enqueue_dma source(%arg9 : memref<4096xi32, #tpu.memory_space<vmem>>) target(%dma_start3A_127 : memref<4096xi32, #tpu.memory_space<hbm>>) target_semaphore(%arg13 : memref<!tpu.dma_semaphore, #tpu.memory_space<semaphore_mem>>)
      %parallel_loop3A_128 = arith.constant 0 : i32
      %parallel_loop3A_129 = arith.constant 256 : i32
      %parallel_loop3A_130 = arith.constant 1 : i32
      scf.for %parallel_loop3A_226 = %parallel_loop3A_128 to %parallel_loop3A_129 step %parallel_loop3A_130  : i32 {
        %parallel_loop3A_227 = arith.constant 256 : i32
        %parallel_loop3A_228 = arith.addi %parallel_loop3A_227, %parallel_loop3A_226 : i32
        %parallel_loop3A_229 = arith.constant 16 : i32
        %parallel_loop3A_230 = arith.muli %parallel_loop3A_228, %parallel_loop3A_229 : i32
        %parallel_loop3A_231 = arith.index_cast %parallel_loop3A_230 : i32 to index
        %parallel_loop3A_232 = tpu.vector_load %arg8[%parallel_loop3A_231] {strides = array<i32>} : memref<16384xi32, #tpu.memory_space<vmem>>, vector<16xi32>,
        %parallel_loop3A_233 = tpu.vector_load_idx %arg7[%parallel_loop3A_232] : memref<100000xf32, #tpu.memory_space<vmem>>[vector<16xi32>], vector<16xf32>,
        %parallel_loop3A_234 = vector.bitcast %parallel_loop3A_233 : vector<16xf32> to vector<16xi32>
        %parallel_loop3A_235 = arith.constant 16 : i32
        %parallel_loop3A_236 = arith.muli %parallel_loop3A_226, %parallel_loop3A_235 : i32
        %parallel_loop3A_237 = arith.index_cast %parallel_loop3A_236 : i32 to index
        %parallel_loop3A_238 = tpu.vector_load %arg10[%parallel_loop3A_237] {strides = array<i32>} : memref<4096xi32, #tpu.memory_space<vmem>>, vector<16xi32>,
        tpu.vector_store %arg10[%parallel_loop3A_237], %parallel_loop3A_234 {strides = array<i32>} : memref<4096xi32, #tpu.memory_space<vmem>>, vector<16xi32>,
      } {sc.loop_unroll_factor = 16 : i64, sc.parallel_access}
      %dma_start3A_131 = arith.constant 0 : i32
      %dma_start3A_132 = tpu.memref_slice %arg5[%add3A_62, %dma_start3A_131] : memref<416x16384xi32, #tpu.memory_space<hbm>> -> memref<1x16384xi32, #tpu.memory_space<hbm>>
      %dma_start3A_133 = tpu.memref_squeeze %dma_start3A_132 : memref<1x16384xi32, #tpu.memory_space<hbm>> -> memref<16384xi32, #tpu.memory_space<hbm>>
      %dma_start3A_134 = arith.constant 4096 : i32
      %dma_start3A_135 = tpu.memref_slice %dma_start3A_133[%dma_start3A_134] : memref<16384xi32, #tpu.memory_space<hbm>> -> memref<4096xi32, #tpu.memory_space<hbm>>
      %dma_start3A_136 = arith.constant 0 : i32
      %dma_start3A_137 = tpu.memref_slice %arg5[%add3A_62, %dma_start3A_136] : memref<416x16384xi32, #tpu.memory_space<hbm>> -> memref<1x16384xi32, #tpu.memory_space<hbm>>
      %dma_start3A_138 = tpu.memref_squeeze %dma_start3A_137 : memref<1x16384xi32, #tpu.memory_space<hbm>> -> memref<16384xi32, #tpu.memory_space<hbm>>
      %dma_start3A_139 = arith.constant 4096 : i32
      %dma_start3A_140 = tpu.memref_slice %dma_start3A_138[%dma_start3A_139] : memref<16384xi32, #tpu.memory_space<hbm>> -> memref<4096xi32, #tpu.memory_space<hbm>>
      tpu.enqueue_dma source(%arg10 : memref<4096xi32, #tpu.memory_space<vmem>>) target(%dma_start3A_140 : memref<4096xi32, #tpu.memory_space<hbm>>) target_semaphore(%arg14 : memref<!tpu.dma_semaphore, #tpu.memory_space<semaphore_mem>>)
      %dma_wait3A_141 = arith.constant 0 : i32
      %dma_wait3A_142 = tpu.memref_slice %arg5[%add3A_62, %dma_wait3A_141] : memref<416x16384xi32, #tpu.memory_space<hbm>> -> memref<1x16384xi32, #tpu.memory_space<hbm>>
      %dma_wait3A_143 = tpu.memref_squeeze %dma_wait3A_142 : memref<1x16384xi32, #tpu.memory_space<hbm>> -> memref<16384xi32, #tpu.memory_space<hbm>>
      %dma_wait3A_144 = arith.constant 0 : i32
      %dma_wait3A_145 = tpu.memref_slice %dma_wait3A_143[%dma_wait3A_144] : memref<16384xi32, #tpu.memory_space<hbm>> -> memref<4096xi32, #tpu.memory_space<hbm>>
      %dma_wait3A_146 = arith.constant 0 : i32
      %dma_wait3A_147 = tpu.memref_slice %arg5[%add3A_62, %dma_wait3A_146] : memref<416x16384xi32, #tpu.memory_space<hbm>> -> memref<1x16384xi32, #tpu.memory_space<hbm>>
      %dma_wait3A_148 = tpu.memref_squeeze %dma_wait3A_147 : memref<1x16384xi32, #tpu.memory_space<hbm>> -> memref<16384xi32, #tpu.memory_space<hbm>>
      %dma_wait3A_149 = arith.constant 0 : i32
      %dma_wait3A_150 = tpu.memref_slice %dma_wait3A_148[%dma_wait3A_149] : memref<16384xi32, #tpu.memory_space<hbm>> -> memref<4096xi32, #tpu.memory_space<hbm>>
      tpu.wait_dma2 semaphore(%arg13 : memref<!tpu.dma_semaphore, #tpu.memory_space<semaphore_mem>>) src(%arg9 : memref<4096xi32, #tpu.memory_space<vmem>>) dst(%dma_wait3A_150 : memref<4096xi32, #tpu.memory_space<hbm>>)
      %parallel_loop3A_151 = arith.constant 0 : i32
      %parallel_loop3A_152 = arith.constant 256 : i32
      %parallel_loop3A_153 = arith.constant 1 : i32
      scf.for %parallel_loop3A_226 = %parallel_loop3A_151 to %parallel_loop3A_152 step %parallel_loop3A_153  : i32 {
        %parallel_loop3A_227 = arith.constant 512 : i32
        %parallel_loop3A_228 = arith.addi %parallel_loop3A_227, %parallel_loop3A_226 : i32
        %parallel_loop3A_229 = arith.constant 16 : i32
        %parallel_loop3A_230 = arith.muli %parallel_loop3A_228, %parallel_loop3A_229 : i32
        %parallel_loop3A_231 = arith.index_cast %parallel_loop3A_230 : i32 to index
        %parallel_loop3A_232 = tpu.vector_load %arg8[%parallel_loop3A_231] {strides = array<i32>} : memref<16384xi32, #tpu.memory_space<vmem>>, vector<16xi32>,
        %parallel_loop3A_233 = tpu.vector_load_idx %arg7[%parallel_loop3A_232] : memref<100000xf32, #tpu.memory_space<vmem>>[vector<16xi32>], vector<16xf32>,
        %parallel_loop3A_234 = vector.bitcast %parallel_loop3A_233 : vector<16xf32> to vector<16xi32>
        %parallel_loop3A_235 = arith.constant 16 : i32
        %parallel_loop3A_236 = arith.muli %parallel_loop3A_226, %parallel_loop3A_235 : i32
        %parallel_loop3A_237 = arith.index_cast %parallel_loop3A_236 : i32 to index
        %parallel_loop3A_238 = tpu.vector_load %arg9[%parallel_loop3A_237] {strides = array<i32>} : memref<4096xi32, #tpu.memory_space<vmem>>, vector<16xi32>,
        tpu.vector_store %arg9[%parallel_loop3A_237], %parallel_loop3A_234 {strides = array<i32>} : memref<4096xi32, #tpu.memory_space<vmem>>, vector<16xi32>,
      } {sc.loop_unroll_factor = 16 : i64, sc.parallel_access}
      %dma_start3A_154 = arith.constant 0 : i32
      %dma_start3A_155 = tpu.memref_slice %arg5[%add3A_62, %dma_start3A_154] : memref<416x16384xi32, #tpu.memory_space<hbm>> -> memref<1x16384xi32, #tpu.memory_space<hbm>>
      %dma_start3A_156 = tpu.memref_squeeze %dma_start3A_155 : memref<1x16384xi32, #tpu.memory_space<hbm>> -> memref<16384xi32, #tpu.memory_space<hbm>>
      %dma_start3A_157 = arith.constant 8192 : i32
      %dma_start3A_158 = tpu.memref_slice %dma_start3A_156[%dma_start3A_157] : memref<16384xi32, #tpu.memory_space<hbm>> -> memref<4096xi32, #tpu.memory_space<hbm>>
      %dma_start3A_159 = arith.constant 0 : i32
      %dma_start3A_160 = tpu.memref_slice %arg5[%add3A_62, %dma_start3A_159] : memref<416x16384xi32, #tpu.memory_space<hbm>> -> memref<1x16384xi32, #tpu.memory_space<hbm>>
      %dma_start3A_161 = tpu.memref_squeeze %dma_start3A_160 : memref<1x16384xi32, #tpu.memory_space<hbm>> -> memref<16384xi32, #tpu.memory_space<hbm>>
      %dma_start3A_162 = arith.constant 8192 : i32
      %dma_start3A_163 = tpu.memref_slice %dma_start3A_161[%dma_start3A_162] : memref<16384xi32, #tpu.memory_space<hbm>> -> memref<4096xi32, #tpu.memory_space<hbm>>
      tpu.enqueue_dma source(%arg9 : memref<4096xi32, #tpu.memory_space<vmem>>) target(%dma_start3A_163 : memref<4096xi32, #tpu.memory_space<hbm>>) target_semaphore(%arg13 : memref<!tpu.dma_semaphore, #tpu.memory_space<semaphore_mem>>)
      %dma_wait3A_164 = arith.constant 0 : i32
      %dma_wait3A_165 = tpu.memref_slice %arg5[%add3A_62, %dma_wait3A_164] : memref<416x16384xi32, #tpu.memory_space<hbm>> -> memref<1x16384xi32, #tpu.memory_space<hbm>>
      %dma_wait3A_166 = tpu.memref_squeeze %dma_wait3A_165 : memref<1x16384xi32, #tpu.memory_space<hbm>> -> memref<16384xi32, #tpu.memory_space<hbm>>
      %dma_wait3A_167 = arith.constant 4096 : i32
      %dma_wait3A_168 = tpu.memref_slice %dma_wait3A_166[%dma_wait3A_167] : memref<16384xi32, #tpu.memory_space<hbm>> -> memref<4096xi32, #tpu.memory_space<hbm>>
      %dma_wait3A_169 = arith.constant 0 : i32
      %dma_wait3A_170 = tpu.memref_slice %arg5[%add3A_62, %dma_wait3A_169] : memref<416x16384xi32, #tpu.memory_space<hbm>> -> memref<1x16384xi32, #tpu.memory_space<hbm>>
      %dma_wait3A_171 = tpu.memref_squeeze %dma_wait3A_170 : memref<1x16384xi32, #tpu.memory_space<hbm>> -> memref<16384xi32, #tpu.memory_space<hbm>>
      %dma_wait3A_172 = arith.constant 4096 : i32
      %dma_wait3A_173 = tpu.memref_slice %dma_wait3A_171[%dma_wait3A_172] : memref<16384xi32, #tpu.memory_space<hbm>> -> memref<4096xi32, #tpu.memory_space<hbm>>
      tpu.wait_dma2 semaphore(%arg14 : memref<!tpu.dma_semaphore, #tpu.memory_space<semaphore_mem>>) src(%arg10 : memref<4096xi32, #tpu.memory_space<vmem>>) dst(%dma_wait3A_173 : memref<4096xi32, #tpu.memory_space<hbm>>)
      %parallel_loop3A_174 = arith.constant 0 : i32
      %parallel_loop3A_175 = arith.constant 256 : i32
      %parallel_loop3A_176 = arith.constant 1 : i32
      scf.for %parallel_loop3A_226 = %parallel_loop3A_174 to %parallel_loop3A_175 step %parallel_loop3A_176  : i32 {
        %parallel_loop3A_227 = arith.constant 768 : i32
        %parallel_loop3A_228 = arith.addi %parallel_loop3A_227, %parallel_loop3A_226 : i32
        %parallel_loop3A_229 = arith.constant 16 : i32
        %parallel_loop3A_230 = arith.muli %parallel_loop3A_228, %parallel_loop3A_229 : i32
        %parallel_loop3A_231 = arith.index_cast %parallel_loop3A_230 : i32 to index
        %parallel_loop3A_232 = tpu.vector_load %arg8[%parallel_loop3A_231] {strides = array<i32>} : memref<16384xi32, #tpu.memory_space<vmem>>, vector<16xi32>,
        %parallel_loop3A_233 = tpu.vector_load_idx %arg7[%parallel_loop3A_232] : memref<100000xf32, #tpu.memory_space<vmem>>[vector<16xi32>], vector<16xf32>,
        %parallel_loop3A_234 = vector.bitcast %parallel_loop3A_233 : vector<16xf32> to vector<16xi32>
        %parallel_loop3A_235 = arith.constant 16 : i32
        %parallel_loop3A_236 = arith.muli %parallel_loop3A_226, %parallel_loop3A_235 : i32
        %parallel_loop3A_237 = arith.index_cast %parallel_loop3A_236 : i32 to index
        %parallel_loop3A_238 = tpu.vector_load %arg10[%parallel_loop3A_237] {strides = array<i32>} : memref<4096xi32, #tpu.memory_space<vmem>>, vector<16xi32>,
        tpu.vector_store %arg10[%parallel_loop3A_237], %parallel_loop3A_234 {strides = array<i32>} : memref<4096xi32, #tpu.memory_space<vmem>>, vector<16xi32>,
      } {sc.loop_unroll_factor = 16 : i64, sc.parallel_access}
      %dma_start3A_177 = arith.constant 0 : i32
      %dma_start3A_178 = tpu.memref_slice %arg5[%add3A_62, %dma_start3A_177] : memref<416x16384xi32, #tpu.memory_space<hbm>> -> memref<1x16384xi32, #tpu.memory_space<hbm>>
      %dma_start3A_179 = tpu.memref_squeeze %dma_start3A_178 : memref<1x16384xi32, #tpu.memory_space<hbm>> -> memref<16384xi32, #tpu.memory_space<hbm>>
      %dma_start3A_180 = arith.constant 12288 : i32
      %dma_start3A_181 = tpu.memref_slice %dma_start3A_179[%dma_start3A_180] : memref<16384xi32, #tpu.memory_space<hbm>> -> memref<4096xi32, #tpu.memory_space<hbm>>
      %dma_start3A_182 = arith.constant 0 : i32
      %dma_start3A_183 = tpu.memref_slice %arg5[%add3A_62, %dma_start3A_182] : memref<416x16384xi32, #tpu.memory_space<hbm>> -> memref<1x16384xi32, #tpu.memory_space<hbm>>
      %dma_start3A_184 = tpu.memref_squeeze %dma_start3A_183 : memref<1x16384xi32, #tpu.memory_space<hbm>> -> memref<16384xi32, #tpu.memory_space<hbm>>
      %dma_start3A_185 = arith.constant 12288 : i32
      %dma_start3A_186 = tpu.memref_slice %dma_start3A_184[%dma_start3A_185] : memref<16384xi32, #tpu.memory_space<hbm>> -> memref<4096xi32, #tpu.memory_space<hbm>>
      tpu.enqueue_dma source(%arg10 : memref<4096xi32, #tpu.memory_space<vmem>>) target(%dma_start3A_186 : memref<4096xi32, #tpu.memory_space<hbm>>) target_semaphore(%arg14 : memref<!tpu.dma_semaphore, #tpu.memory_space<semaphore_mem>>)
      %dma_wait3A_187 = arith.constant 0 : i32
      %dma_wait3A_188 = tpu.memref_slice %arg5[%add3A_62, %dma_wait3A_187] : memref<416x16384xi32, #tpu.memory_space<hbm>> -> memref<1x16384xi32, #tpu.memory_space<hbm>>
      %dma_wait3A_189 = tpu.memref_squeeze %dma_wait3A_188 : memref<1x16384xi32, #tpu.memory_space<hbm>> -> memref<16384xi32, #tpu.memory_space<hbm>>
      %dma_wait3A_190 = arith.constant 8192 : i32
      %dma_wait3A_191 = tpu.memref_slice %dma_wait3A_189[%dma_wait3A_190] : memref<16384xi32, #tpu.memory_space<hbm>> -> memref<4096xi32, #tpu.memory_space<hbm>>
      %dma_wait3A_192 = arith.constant 0 : i32
      %dma_wait3A_193 = tpu.memref_slice %arg5[%add3A_62, %dma_wait3A_192] : memref<416x16384xi32, #tpu.memory_space<hbm>> -> memref<1x16384xi32, #tpu.memory_space<hbm>>
      %dma_wait3A_194 = tpu.memref_squeeze %dma_wait3A_193 : memref<1x16384xi32, #tpu.memory_space<hbm>> -> memref<16384xi32, #tpu.memory_space<hbm>>
      %dma_wait3A_195 = arith.constant 8192 : i32
      %dma_wait3A_196 = tpu.memref_slice %dma_wait3A_194[%dma_wait3A_195] : memref<16384xi32, #tpu.memory_space<hbm>> -> memref<4096xi32, #tpu.memory_space<hbm>>
      tpu.wait_dma2 semaphore(%arg13 : memref<!tpu.dma_semaphore, #tpu.memory_space<semaphore_mem>>) src(%arg9 : memref<4096xi32, #tpu.memory_space<vmem>>) dst(%dma_wait3A_196 : memref<4096xi32, #tpu.memory_space<hbm>>)
      %dma_wait3A_197 = arith.constant 0 : i32
      %dma_wait3A_198 = tpu.memref_slice %arg5[%add3A_62, %dma_wait3A_197] : memref<416x16384xi32, #tpu.memory_space<hbm>> -> memref<1x16384xi32, #tpu.memory_space<hbm>>
      %dma_wait3A_199 = tpu.memref_squeeze %dma_wait3A_198 : memref<1x16384xi32, #tpu.memory_space<hbm>> -> memref<16384xi32, #tpu.memory_space<hbm>>
      %dma_wait3A_200 = arith.constant 12288 : i32
      %dma_wait3A_201 = tpu.memref_slice %dma_wait3A_199[%dma_wait3A_200] : memref<16384xi32, #tpu.memory_space<hbm>> -> memref<4096xi32, #tpu.memory_space<hbm>>
      %dma_wait3A_202 = arith.constant 0 : i32
      %dma_wait3A_203 = tpu.memref_slice %arg5[%add3A_62, %dma_wait3A_202] : memref<416x16384xi32, #tpu.memory_space<hbm>> -> memref<1x16384xi32, #tpu.memory_space<hbm>>
      %dma_wait3A_204 = tpu.memref_squeeze %dma_wait3A_203 : memref<1x16384xi32, #tpu.memory_space<hbm>> -> memref<16384xi32, #tpu.memory_space<hbm>>
      %dma_wait3A_205 = arith.constant 12288 : i32
      %dma_wait3A_206 = tpu.memref_slice %dma_wait3A_204[%dma_wait3A_205] : memref<16384xi32, #tpu.memory_space<hbm>> -> memref<4096xi32, #tpu.memory_space<hbm>>
      tpu.wait_dma2 semaphore(%arg14 : memref<!tpu.dma_semaphore, #tpu.memory_space<semaphore_mem>>) src(%arg10 : memref<4096xi32, #tpu.memory_space<vmem>>) dst(%dma_wait3A_206 : memref<4096xi32, #tpu.memory_space<hbm>>)
      %add3A_207 = arith.constant 1 : i32
      %add3A_208 = arith.addi %add3A_62, %add3A_207 : i32
      %add3A_209 = arith.constant 1 : i32
      %add3A_210 = arith.addi %scan3A_59, %add3A_209 : i32
      %lt3A_211 = arith.constant 13 : i32
      %lt3A_212 = arith.cmpi slt, %add3A_210, %lt3A_211 : i32
      %convert_element_type3A_213 = arith.extui %lt3A_212 : i1 to i32
      %cond3A_214 = arith.constant 0 : i32
      %cond3A_215 = arith.cmpi ne, %convert_element_type3A_213, %cond3A_214 : i32
      scf.if %cond3A_215 {
        %jit3A_226 = arith.constant 16 : i32
        %div3A_227 = arith.divsi %add3A_208, %jit3A_226 : i32
        %sign3A_228 = arith.constant 0 : i32
        %sign3A_229 = arith.cmpi sgt, %add3A_208, %sign3A_228 : i32
        %sign3A_230 = arith.extui %sign3A_229 : i1 to i32
        %sign3A_231 = arith.constant 0 : i32
        %sign3A_232 = arith.cmpi slt, %add3A_208, %sign3A_231 : i32
        %sign3A_233 = arith.extui %sign3A_232 : i1 to i32
        %sign3A_234 = arith.subi %sign3A_230, %sign3A_233 : i32
        %sign3A_235 = arith.constant 0 : i32
        %sign3A_236 = arith.cmpi sgt, %jit3A_226, %sign3A_235 : i32
        %sign3A_237 = arith.extui %sign3A_236 : i1 to i32
        %sign3A_238 = arith.constant 0 : i32
        %sign3A_239 = arith.cmpi slt, %jit3A_226, %sign3A_238 : i32
        %sign3A_240 = arith.extui %sign3A_239 : i1 to i32
        %sign3A_241 = arith.subi %sign3A_237, %sign3A_240 : i32
        %ne3A_242 = arith.cmpi ne, %sign3A_234, %sign3A_241 : i32
        %rem3A_243 = arith.remsi %add3A_208, %jit3A_226 : i32
        %ne3A_244 = arith.constant 0 : i32
        %ne3A_245 = arith.cmpi ne, %rem3A_243, %ne3A_244 : i32
        %and3A_246 = arith.andi %ne3A_242, %ne3A_245 : i1
        %sub3A_247 = arith.constant 1 : i32
        %sub3A_248 = arith.subi %div3A_227, %sub3A_247 : i32
        %select_n3A_249 = arith.select %and3A_246, %sub3A_248, %div3A_227 : i32
        %jit3A_250 = arith.constant 16 : i32
        %eq3A_251 = arith.constant 0 : i32
        %eq3A_252 = arith.cmpi eq, %jit3A_250, %eq3A_251 : i32
        %jit3A_253 = arith.constant 1 : i32
        %select_n3A_254 = arith.select %eq3A_252, %jit3A_253, %jit3A_250 : i32
        %rem3A_255 = arith.remsi %add3A_208, %select_n3A_254 : i32
        %ne3A_256 = arith.constant 0 : i32
        %ne3A_257 = arith.cmpi ne, %rem3A_255, %ne3A_256 : i32
        %lt3A_258 = arith.constant 0 : i32
        %lt3A_259 = arith.cmpi slt, %rem3A_255, %lt3A_258 : i32
        %lt3A_260 = arith.constant 0 : i32
        %lt3A_261 = arith.cmpi slt, %select_n3A_254, %lt3A_260 : i32
        %ne3A_262 = arith.xori %lt3A_259, %lt3A_261 : i1
        %and3A_263 = arith.andi %ne3A_262, %ne3A_257 : i1
        %add3A_264 = arith.addi %rem3A_255, %select_n3A_254 : i32
        %select_n3A_265 = arith.select %and3A_263, %add3A_264, %rem3A_255 : i32
        %dma_start3A_266 = arith.constant 0 : i32
        %dma_start3A_267 = tpu.memref_slice %arg4[%select_n3A_249, %select_n3A_265, %dma_start3A_266] : memref<26x16x100000xf32, #tpu.memory_space<hbm>> -> memref<1x1x100000xf32, #tpu.memory_space<hbm>>
        %dma_start3A_268 = tpu.memref_squeeze %dma_start3A_267 : memref<1x1x100000xf32, #tpu.memory_space<hbm>> -> memref<100000xf32, #tpu.memory_space<hbm>>
        %dma_start3A_269 = arith.constant 0 : i32
        %dma_start3A_270 = tpu.memref_slice %arg4[%select_n3A_249, %select_n3A_265, %dma_start3A_269] : memref<26x16x100000xf32, #tpu.memory_space<hbm>> -> memref<1x1x100000xf32, #tpu.memory_space<hbm>>
        %dma_start3A_271 = tpu.memref_squeeze %dma_start3A_270 : memref<1x1x100000xf32, #tpu.memory_space<hbm>> -> memref<100000xf32, #tpu.memory_space<hbm>>
        tpu.enqueue_dma source(%dma_start3A_271 : memref<100000xf32, #tpu.memory_space<hbm>>) target(%arg7 : memref<100000xf32, #tpu.memory_space<vmem>>) target_semaphore(%arg11 : memref<!tpu.dma_semaphore, #tpu.memory_space<semaphore_mem>>)
      } else {
      }
      %add3A_216 = arith.constant 1 : i32
      %add3A_217 = arith.addi %scan3A_59, %add3A_216 : i32
      %eq3A_218 = arith.constant 13 : i32
      %eq3A_219 = arith.cmpi eq, %add3A_217, %eq3A_218 : i32
      %lt3A_220 = arith.constant 26 : i32
      %lt3A_221 = arith.cmpi slt, %add3A, %lt3A_220 : i32
      %and3A_222 = arith.andi %eq3A_219, %lt3A_221 : i1
      %convert_element_type3A_223 = arith.extui %and3A_222 : i1 to i32
      %cond3A_224 = arith.constant 0 : i32
      %cond3A_225 = arith.cmpi ne, %convert_element_type3A_223, %cond3A_224 : i32
      scf.if %cond3A_225 {
        %dma_start3A_226 = arith.constant 0 : i32
        %dma_start3A_227 = arith.constant 0 : i32
        %dma_start3A_228 = tpu.memref_slice %arg3[%add3A, %dma_start3A_226, %dma_start3A_227] : memref<26x1x100000xf32, #tpu.memory_space<hbm>> -> memref<1x1x100000xf32, #tpu.memory_space<hbm>>
        %dma_start3A_229 = tpu.memref_squeeze %dma_start3A_228 : memref<1x1x100000xf32, #tpu.memory_space<hbm>> -> memref<100000xf32, #tpu.memory_space<hbm>>
        %dma_start3A_230 = arith.constant 0 : i32
        %dma_start3A_231 = tpu.memref_slice %arg3[%add3A, %dma_start3A_226, %dma_start3A_230] : memref<26x1x100000xf32, #tpu.memory_space<hbm>> -> memref<1x1x100000xf32, #tpu.memory_space<hbm>>
        %dma_start3A_232 = tpu.memref_squeeze %dma_start3A_231 : memref<1x1x100000xf32, #tpu.memory_space<hbm>> -> memref<100000xf32, #tpu.memory_space<hbm>>
        tpu.enqueue_dma source(%dma_start3A_232 : memref<100000xf32, #tpu.memory_space<hbm>>) target(%arg7 : memref<100000xf32, #tpu.memory_space<vmem>>) target_semaphore(%arg11 : memref<!tpu.dma_semaphore, #tpu.memory_space<semaphore_mem>>)
      } else {
      }
    }
    %scan3A_55 = arith.constant 13 : i32
    %lt3A_56 = arith.constant 26 : i32
    %lt3A_57 = arith.cmpi slt, %add3A, %lt3A_56 : i32
    %convert_element_type3A = arith.extui %lt3A_57 : i1 to i32
    %cond3A = arith.constant 0 : i32
    %cond3A_58 = arith.cmpi ne, %convert_element_type3A, %cond3A : i32
    scf.if %cond3A_58 {
      %dma_start3A_59 = arith.constant 0 : i32
      %dma_start3A_60 = tpu.memref_slice %arg2[%add3A, %dma_start3A_59] : memref<26x16384xi32, #tpu.memory_space<hbm>> -> memref<1x16384xi32, #tpu.memory_space<hbm>>
      %dma_start3A_61 = tpu.memref_squeeze %dma_start3A_60 : memref<1x16384xi32, #tpu.memory_space<hbm>> -> memref<16384xi32, #tpu.memory_space<hbm>>
      %dma_start3A_62 = arith.constant 0 : i32
      %dma_start3A_63 = tpu.memref_slice %arg2[%add3A, %dma_start3A_62] : memref<26x16384xi32, #tpu.memory_space<hbm>> -> memref<1x16384xi32, #tpu.memory_space<hbm>>
      %dma_start3A_64 = tpu.memref_squeeze %dma_start3A_63 : memref<1x16384xi32, #tpu.memory_space<hbm>> -> memref<16384xi32, #tpu.memory_space<hbm>>
      tpu.enqueue_dma source(%dma_start3A_64 : memref<16384xi32, #tpu.memory_space<hbm>>) target(%arg8 : memref<16384xi32, #tpu.memory_space<vmem>>) target_semaphore(%arg12 : memref<!tpu.dma_semaphore, #tpu.memory_space<semaphore_mem>>)
      %dma_wait3A_65 = arith.constant 0 : i32
      %dma_wait3A_66 = tpu.memref_slice %arg2[%add3A, %dma_wait3A_65] : memref<26x16384xi32, #tpu.memory_space<hbm>> -> memref<1x16384xi32, #tpu.memory_space<hbm>>
      %dma_wait3A_67 = tpu.memref_squeeze %dma_wait3A_66 : memref<1x16384xi32, #tpu.memory_space<hbm>> -> memref<16384xi32, #tpu.memory_space<hbm>>
      %dma_wait3A_68 = arith.constant 0 : i32
      %dma_wait3A_69 = tpu.memref_slice %arg2[%add3A, %dma_wait3A_68] : memref<26x16384xi32, #tpu.memory_space<hbm>> -> memref<1x16384xi32, #tpu.memory_space<hbm>>
      %dma_wait3A_70 = tpu.memref_squeeze %dma_wait3A_69 : memref<1x16384xi32, #tpu.memory_space<hbm>> -> memref<16384xi32, #tpu.memory_space<hbm>>
      tpu.wait_dma2 semaphore(%arg12 : memref<!tpu.dma_semaphore, #tpu.memory_space<semaphore_mem>>) src(%dma_wait3A_70 : memref<16384xi32, #tpu.memory_space<hbm>>) dst(%arg8 : memref<16384xi32, #tpu.memory_space<vmem>>)
      %dma_wait3A_71 = arith.constant 0 : i32
      %dma_wait3A_72 = arith.constant 0 : i32
      %dma_wait3A_73 = tpu.memref_slice %arg3[%add3A, %dma_wait3A_71, %dma_wait3A_72] : memref<26x1x100000xf32, #tpu.memory_space<hbm>> -> memref<1x1x100000xf32, #tpu.memory_space<hbm>>
      %dma_wait3A_74 = tpu.memref_squeeze %dma_wait3A_73 : memref<1x1x100000xf32, #tpu.memory_space<hbm>> -> memref<100000xf32, #tpu.memory_space<hbm>>
      %dma_wait3A_75 = arith.constant 0 : i32
      %dma_wait3A_76 = tpu.memref_slice %arg3[%add3A, %dma_wait3A_71, %dma_wait3A_75] : memref<26x1x100000xf32, #tpu.memory_space<hbm>> -> memref<1x1x100000xf32, #tpu.memory_space<hbm>>
      %dma_wait3A_77 = tpu.memref_squeeze %dma_wait3A_76 : memref<1x1x100000xf32, #tpu.memory_space<hbm>> -> memref<100000xf32, #tpu.memory_space<hbm>>
      tpu.wait_dma2 semaphore(%arg11 : memref<!tpu.dma_semaphore, #tpu.memory_space<semaphore_mem>>) src(%dma_wait3A_77 : memref<100000xf32, #tpu.memory_space<hbm>>) dst(%arg7 : memref<100000xf32, #tpu.memory_space<vmem>>)
      %parallel_loop3A = arith.constant 0 : i32
      %parallel_loop3A_78 = arith.constant 256 : i32
      %parallel_loop3A_79 = arith.constant 1 : i32
      scf.for %parallel_loop3A_169 = %parallel_loop3A to %parallel_loop3A_78 step %parallel_loop3A_79  : i32 {
        %parallel_loop3A_170 = arith.constant 0 : i32
        %parallel_loop3A_171 = arith.addi %parallel_loop3A_170, %parallel_loop3A_169 : i32
        %parallel_loop3A_172 = arith.constant 16 : i32
        %parallel_loop3A_173 = arith.muli %parallel_loop3A_171, %parallel_loop3A_172 : i32
        %parallel_loop3A_174 = arith.index_cast %parallel_loop3A_173 : i32 to index
        %parallel_loop3A_175 = tpu.vector_load %arg8[%parallel_loop3A_174] {strides = array<i32>} : memref<16384xi32, #tpu.memory_space<vmem>>, vector<16xi32>,
        %parallel_loop3A_176 = tpu.vector_load_idx %arg7[%parallel_loop3A_175] : memref<100000xf32, #tpu.memory_space<vmem>>[vector<16xi32>], vector<16xf32>,
        %parallel_loop3A_177 = vector.bitcast %parallel_loop3A_176 : vector<16xf32> to vector<16xi32>
        %parallel_loop3A_178 = arith.constant 16 : i32
        %parallel_loop3A_179 = arith.muli %parallel_loop3A_169, %parallel_loop3A_178 : i32
        %parallel_loop3A_180 = arith.index_cast %parallel_loop3A_179 : i32 to index
        %parallel_loop3A_181 = tpu.vector_load %arg9[%parallel_loop3A_180] {strides = array<i32>} : memref<4096xi32, #tpu.memory_space<vmem>>, vector<16xi32>,
        tpu.vector_store %arg9[%parallel_loop3A_180], %parallel_loop3A_177 {strides = array<i32>} : memref<4096xi32, #tpu.memory_space<vmem>>, vector<16xi32>,
      } {sc.loop_unroll_factor = 16 : i64, sc.parallel_access}
      %dma_start3A_80 = arith.constant 0 : i32
      %dma_start3A_81 = tpu.memref_slice %arg6[%add3A, %dma_start3A_80] : memref<26x16384xi32, #tpu.memory_space<hbm>> -> memref<1x16384xi32, #tpu.memory_space<hbm>>
      %dma_start3A_82 = tpu.memref_squeeze %dma_start3A_81 : memref<1x16384xi32, #tpu.memory_space<hbm>> -> memref<16384xi32, #tpu.memory_space<hbm>>
      %dma_start3A_83 = arith.constant 0 : i32
      %dma_start3A_84 = tpu.memref_slice %dma_start3A_82[%dma_start3A_83] : memref<16384xi32, #tpu.memory_space<hbm>> -> memref<4096xi32, #tpu.memory_space<hbm>>
      %dma_start3A_85 = arith.constant 0 : i32
      %dma_start3A_86 = tpu.memref_slice %arg6[%add3A, %dma_start3A_85] : memref<26x16384xi32, #tpu.memory_space<hbm>> -> memref<1x16384xi32, #tpu.memory_space<hbm>>
      %dma_start3A_87 = tpu.memref_squeeze %dma_start3A_86 : memref<1x16384xi32, #tpu.memory_space<hbm>> -> memref<16384xi32, #tpu.memory_space<hbm>>
      %dma_start3A_88 = arith.constant 0 : i32
      %dma_start3A_89 = tpu.memref_slice %dma_start3A_87[%dma_start3A_88] : memref<16384xi32, #tpu.memory_space<hbm>> -> memref<4096xi32, #tpu.memory_space<hbm>>
      tpu.enqueue_dma source(%arg9 : memref<4096xi32, #tpu.memory_space<vmem>>) target(%dma_start3A_89 : memref<4096xi32, #tpu.memory_space<hbm>>) target_semaphore(%arg13 : memref<!tpu.dma_semaphore, #tpu.memory_space<semaphore_mem>>)
      %parallel_loop3A_90 = arith.constant 0 : i32
      %parallel_loop3A_91 = arith.constant 256 : i32
      %parallel_loop3A_92 = arith.constant 1 : i32
      scf.for %parallel_loop3A_169 = %parallel_loop3A_90 to %parallel_loop3A_91 step %parallel_loop3A_92  : i32 {
        %parallel_loop3A_170 = arith.constant 256 : i32
        %parallel_loop3A_171 = arith.addi %parallel_loop3A_170, %parallel_loop3A_169 : i32
        %parallel_loop3A_172 = arith.constant 16 : i32
        %parallel_loop3A_173 = arith.muli %parallel_loop3A_171, %parallel_loop3A_172 : i32
        %parallel_loop3A_174 = arith.index_cast %parallel_loop3A_173 : i32 to index
        %parallel_loop3A_175 = tpu.vector_load %arg8[%parallel_loop3A_174] {strides = array<i32>} : memref<16384xi32, #tpu.memory_space<vmem>>, vector<16xi32>,
        %parallel_loop3A_176 = tpu.vector_load_idx %arg7[%parallel_loop3A_175] : memref<100000xf32, #tpu.memory_space<vmem>>[vector<16xi32>], vector<16xf32>,
        %parallel_loop3A_177 = vector.bitcast %parallel_loop3A_176 : vector<16xf32> to vector<16xi32>
        %parallel_loop3A_178 = arith.constant 16 : i32
        %parallel_loop3A_179 = arith.muli %parallel_loop3A_169, %parallel_loop3A_178 : i32
        %parallel_loop3A_180 = arith.index_cast %parallel_loop3A_179 : i32 to index
        %parallel_loop3A_181 = tpu.vector_load %arg10[%parallel_loop3A_180] {strides = array<i32>} : memref<4096xi32, #tpu.memory_space<vmem>>, vector<16xi32>,
        tpu.vector_store %arg10[%parallel_loop3A_180], %parallel_loop3A_177 {strides = array<i32>} : memref<4096xi32, #tpu.memory_space<vmem>>, vector<16xi32>,
      } {sc.loop_unroll_factor = 16 : i64, sc.parallel_access}
      %dma_start3A_93 = arith.constant 0 : i32
      %dma_start3A_94 = tpu.memref_slice %arg6[%add3A, %dma_start3A_93] : memref<26x16384xi32, #tpu.memory_space<hbm>> -> memref<1x16384xi32, #tpu.memory_space<hbm>>
      %dma_start3A_95 = tpu.memref_squeeze %dma_start3A_94 : memref<1x16384xi32, #tpu.memory_space<hbm>> -> memref<16384xi32, #tpu.memory_space<hbm>>
      %dma_start3A_96 = arith.constant 4096 : i32
      %dma_start3A_97 = tpu.memref_slice %dma_start3A_95[%dma_start3A_96] : memref<16384xi32, #tpu.memory_space<hbm>> -> memref<4096xi32, #tpu.memory_space<hbm>>
      %dma_start3A_98 = arith.constant 0 : i32
      %dma_start3A_99 = tpu.memref_slice %arg6[%add3A, %dma_start3A_98] : memref<26x16384xi32, #tpu.memory_space<hbm>> -> memref<1x16384xi32, #tpu.memory_space<hbm>>
      %dma_start3A_100 = tpu.memref_squeeze %dma_start3A_99 : memref<1x16384xi32, #tpu.memory_space<hbm>> -> memref<16384xi32, #tpu.memory_space<hbm>>
      %dma_start3A_101 = arith.constant 4096 : i32
      %dma_start3A_102 = tpu.memref_slice %dma_start3A_100[%dma_start3A_101] : memref<16384xi32, #tpu.memory_space<hbm>> -> memref<4096xi32, #tpu.memory_space<hbm>>
      tpu.enqueue_dma source(%arg10 : memref<4096xi32, #tpu.memory_space<vmem>>) target(%dma_start3A_102 : memref<4096xi32, #tpu.memory_space<hbm>>) target_semaphore(%arg14 : memref<!tpu.dma_semaphore, #tpu.memory_space<semaphore_mem>>)
      %dma_wait3A_103 = arith.constant 0 : i32
      %dma_wait3A_104 = tpu.memref_slice %arg6[%add3A, %dma_wait3A_103] : memref<26x16384xi32, #tpu.memory_space<hbm>> -> memref<1x16384xi32, #tpu.memory_space<hbm>>
      %dma_wait3A_105 = tpu.memref_squeeze %dma_wait3A_104 : memref<1x16384xi32, #tpu.memory_space<hbm>> -> memref<16384xi32, #tpu.memory_space<hbm>>
      %dma_wait3A_106 = arith.constant 0 : i32
      %dma_wait3A_107 = tpu.memref_slice %dma_wait3A_105[%dma_wait3A_106] : memref<16384xi32, #tpu.memory_space<hbm>> -> memref<4096xi32, #tpu.memory_space<hbm>>
      %dma_wait3A_108 = arith.constant 0 : i32
      %dma_wait3A_109 = tpu.memref_slice %arg6[%add3A, %dma_wait3A_108] : memref<26x16384xi32, #tpu.memory_space<hbm>> -> memref<1x16384xi32, #tpu.memory_space<hbm>>
      %dma_wait3A_110 = tpu.memref_squeeze %dma_wait3A_109 : memref<1x16384xi32, #tpu.memory_space<hbm>> -> memref<16384xi32, #tpu.memory_space<hbm>>
      %dma_wait3A_111 = arith.constant 0 : i32
      %dma_wait3A_112 = tpu.memref_slice %dma_wait3A_110[%dma_wait3A_111] : memref<16384xi32, #tpu.memory_space<hbm>> -> memref<4096xi32, #tpu.memory_space<hbm>>
      tpu.wait_dma2 semaphore(%arg13 : memref<!tpu.dma_semaphore, #tpu.memory_space<semaphore_mem>>) src(%arg9 : memref<4096xi32, #tpu.memory_space<vmem>>) dst(%dma_wait3A_112 : memref<4096xi32, #tpu.memory_space<hbm>>)
      %parallel_loop3A_113 = arith.constant 0 : i32
      %parallel_loop3A_114 = arith.constant 256 : i32
      %parallel_loop3A_115 = arith.constant 1 : i32
      scf.for %parallel_loop3A_169 = %parallel_loop3A_113 to %parallel_loop3A_114 step %parallel_loop3A_115  : i32 {
        %parallel_loop3A_170 = arith.constant 512 : i32
        %parallel_loop3A_171 = arith.addi %parallel_loop3A_170, %parallel_loop3A_169 : i32
        %parallel_loop3A_172 = arith.constant 16 : i32
        %parallel_loop3A_173 = arith.muli %parallel_loop3A_171, %parallel_loop3A_172 : i32
        %parallel_loop3A_174 = arith.index_cast %parallel_loop3A_173 : i32 to index
        %parallel_loop3A_175 = tpu.vector_load %arg8[%parallel_loop3A_174] {strides = array<i32>} : memref<16384xi32, #tpu.memory_space<vmem>>, vector<16xi32>,
        %parallel_loop3A_176 = tpu.vector_load_idx %arg7[%parallel_loop3A_175] : memref<100000xf32, #tpu.memory_space<vmem>>[vector<16xi32>], vector<16xf32>,
        %parallel_loop3A_177 = vector.bitcast %parallel_loop3A_176 : vector<16xf32> to vector<16xi32>
        %parallel_loop3A_178 = arith.constant 16 : i32
        %parallel_loop3A_179 = arith.muli %parallel_loop3A_169, %parallel_loop3A_178 : i32
        %parallel_loop3A_180 = arith.index_cast %parallel_loop3A_179 : i32 to index
        %parallel_loop3A_181 = tpu.vector_load %arg9[%parallel_loop3A_180] {strides = array<i32>} : memref<4096xi32, #tpu.memory_space<vmem>>, vector<16xi32>,
        tpu.vector_store %arg9[%parallel_loop3A_180], %parallel_loop3A_177 {strides = array<i32>} : memref<4096xi32, #tpu.memory_space<vmem>>, vector<16xi32>,
      } {sc.loop_unroll_factor = 16 : i64, sc.parallel_access}
      %dma_start3A_116 = arith.constant 0 : i32
      %dma_start3A_117 = tpu.memref_slice %arg6[%add3A, %dma_start3A_116] : memref<26x16384xi32, #tpu.memory_space<hbm>> -> memref<1x16384xi32, #tpu.memory_space<hbm>>
      %dma_start3A_118 = tpu.memref_squeeze %dma_start3A_117 : memref<1x16384xi32, #tpu.memory_space<hbm>> -> memref<16384xi32, #tpu.memory_space<hbm>>
      %dma_start3A_119 = arith.constant 8192 : i32
      %dma_start3A_120 = tpu.memref_slice %dma_start3A_118[%dma_start3A_119] : memref<16384xi32, #tpu.memory_space<hbm>> -> memref<4096xi32, #tpu.memory_space<hbm>>
      %dma_start3A_121 = arith.constant 0 : i32
      %dma_start3A_122 = tpu.memref_slice %arg6[%add3A, %dma_start3A_121] : memref<26x16384xi32, #tpu.memory_space<hbm>> -> memref<1x16384xi32, #tpu.memory_space<hbm>>
      %dma_start3A_123 = tpu.memref_squeeze %dma_start3A_122 : memref<1x16384xi32, #tpu.memory_space<hbm>> -> memref<16384xi32, #tpu.memory_space<hbm>>
      %dma_start3A_124 = arith.constant 8192 : i32
      %dma_start3A_125 = tpu.memref_slice %dma_start3A_123[%dma_start3A_124] : memref<16384xi32, #tpu.memory_space<hbm>> -> memref<4096xi32, #tpu.memory_space<hbm>>
      tpu.enqueue_dma source(%arg9 : memref<4096xi32, #tpu.memory_space<vmem>>) target(%dma_start3A_125 : memref<4096xi32, #tpu.memory_space<hbm>>) target_semaphore(%arg13 : memref<!tpu.dma_semaphore, #tpu.memory_space<semaphore_mem>>)
      %dma_wait3A_126 = arith.constant 0 : i32
      %dma_wait3A_127 = tpu.memref_slice %arg6[%add3A, %dma_wait3A_126] : memref<26x16384xi32, #tpu.memory_space<hbm>> -> memref<1x16384xi32, #tpu.memory_space<hbm>>
      %dma_wait3A_128 = tpu.memref_squeeze %dma_wait3A_127 : memref<1x16384xi32, #tpu.memory_space<hbm>> -> memref<16384xi32, #tpu.memory_space<hbm>>
      %dma_wait3A_129 = arith.constant 4096 : i32
      %dma_wait3A_130 = tpu.memref_slice %dma_wait3A_128[%dma_wait3A_129] : memref<16384xi32, #tpu.memory_space<hbm>> -> memref<4096xi32, #tpu.memory_space<hbm>>
      %dma_wait3A_131 = arith.constant 0 : i32
      %dma_wait3A_132 = tpu.memref_slice %arg6[%add3A, %dma_wait3A_131] : memref<26x16384xi32, #tpu.memory_space<hbm>> -> memref<1x16384xi32, #tpu.memory_space<hbm>>
      %dma_wait3A_133 = tpu.memref_squeeze %dma_wait3A_132 : memref<1x16384xi32, #tpu.memory_space<hbm>> -> memref<16384xi32, #tpu.memory_space<hbm>>
      %dma_wait3A_134 = arith.constant 4096 : i32
      %dma_wait3A_135 = tpu.memref_slice %dma_wait3A_133[%dma_wait3A_134] : memref<16384xi32, #tpu.memory_space<hbm>> -> memref<4096xi32, #tpu.memory_space<hbm>>
      tpu.wait_dma2 semaphore(%arg14 : memref<!tpu.dma_semaphore, #tpu.memory_space<semaphore_mem>>) src(%arg10 : memref<4096xi32, #tpu.memory_space<vmem>>) dst(%dma_wait3A_135 : memref<4096xi32, #tpu.memory_space<hbm>>)
      %parallel_loop3A_136 = arith.constant 0 : i32
      %parallel_loop3A_137 = arith.constant 256 : i32
      %parallel_loop3A_138 = arith.constant 1 : i32
      scf.for %parallel_loop3A_169 = %parallel_loop3A_136 to %parallel_loop3A_137 step %parallel_loop3A_138  : i32 {
        %parallel_loop3A_170 = arith.constant 768 : i32
        %parallel_loop3A_171 = arith.addi %parallel_loop3A_170, %parallel_loop3A_169 : i32
        %parallel_loop3A_172 = arith.constant 16 : i32
        %parallel_loop3A_173 = arith.muli %parallel_loop3A_171, %parallel_loop3A_172 : i32
        %parallel_loop3A_174 = arith.index_cast %parallel_loop3A_173 : i32 to index
        %parallel_loop3A_175 = tpu.vector_load %arg8[%parallel_loop3A_174] {strides = array<i32>} : memref<16384xi32, #tpu.memory_space<vmem>>, vector<16xi32>,
        %parallel_loop3A_176 = tpu.vector_load_idx %arg7[%parallel_loop3A_175] : memref<100000xf32, #tpu.memory_space<vmem>>[vector<16xi32>], vector<16xf32>,
        %parallel_loop3A_177 = vector.bitcast %parallel_loop3A_176 : vector<16xf32> to vector<16xi32>
        %parallel_loop3A_178 = arith.constant 16 : i32
        %parallel_loop3A_179 = arith.muli %parallel_loop3A_169, %parallel_loop3A_178 : i32
        %parallel_loop3A_180 = arith.index_cast %parallel_loop3A_179 : i32 to index
        %parallel_loop3A_181 = tpu.vector_load %arg10[%parallel_loop3A_180] {strides = array<i32>} : memref<4096xi32, #tpu.memory_space<vmem>>, vector<16xi32>,
        tpu.vector_store %arg10[%parallel_loop3A_180], %parallel_loop3A_177 {strides = array<i32>} : memref<4096xi32, #tpu.memory_space<vmem>>, vector<16xi32>,
      } {sc.loop_unroll_factor = 16 : i64, sc.parallel_access}
      %dma_start3A_139 = arith.constant 0 : i32
      %dma_start3A_140 = tpu.memref_slice %arg6[%add3A, %dma_start3A_139] : memref<26x16384xi32, #tpu.memory_space<hbm>> -> memref<1x16384xi32, #tpu.memory_space<hbm>>
      %dma_start3A_141 = tpu.memref_squeeze %dma_start3A_140 : memref<1x16384xi32, #tpu.memory_space<hbm>> -> memref<16384xi32, #tpu.memory_space<hbm>>
      %dma_start3A_142 = arith.constant 12288 : i32
      %dma_start3A_143 = tpu.memref_slice %dma_start3A_141[%dma_start3A_142] : memref<16384xi32, #tpu.memory_space<hbm>> -> memref<4096xi32, #tpu.memory_space<hbm>>
      %dma_start3A_144 = arith.constant 0 : i32
      %dma_start3A_145 = tpu.memref_slice %arg6[%add3A, %dma_start3A_144] : memref<26x16384xi32, #tpu.memory_space<hbm>> -> memref<1x16384xi32, #tpu.memory_space<hbm>>
      %dma_start3A_146 = tpu.memref_squeeze %dma_start3A_145 : memref<1x16384xi32, #tpu.memory_space<hbm>> -> memref<16384xi32, #tpu.memory_space<hbm>>
      %dma_start3A_147 = arith.constant 12288 : i32
      %dma_start3A_148 = tpu.memref_slice %dma_start3A_146[%dma_start3A_147] : memref<16384xi32, #tpu.memory_space<hbm>> -> memref<4096xi32, #tpu.memory_space<hbm>>
      tpu.enqueue_dma source(%arg10 : memref<4096xi32, #tpu.memory_space<vmem>>) target(%dma_start3A_148 : memref<4096xi32, #tpu.memory_space<hbm>>) target_semaphore(%arg14 : memref<!tpu.dma_semaphore, #tpu.memory_space<semaphore_mem>>)
      %dma_wait3A_149 = arith.constant 0 : i32
      %dma_wait3A_150 = tpu.memref_slice %arg6[%add3A, %dma_wait3A_149] : memref<26x16384xi32, #tpu.memory_space<hbm>> -> memref<1x16384xi32, #tpu.memory_space<hbm>>
      %dma_wait3A_151 = tpu.memref_squeeze %dma_wait3A_150 : memref<1x16384xi32, #tpu.memory_space<hbm>> -> memref<16384xi32, #tpu.memory_space<hbm>>
      %dma_wait3A_152 = arith.constant 8192 : i32
      %dma_wait3A_153 = tpu.memref_slice %dma_wait3A_151[%dma_wait3A_152] : memref<16384xi32, #tpu.memory_space<hbm>> -> memref<4096xi32, #tpu.memory_space<hbm>>
      %dma_wait3A_154 = arith.constant 0 : i32
      %dma_wait3A_155 = tpu.memref_slice %arg6[%add3A, %dma_wait3A_154] : memref<26x16384xi32, #tpu.memory_space<hbm>> -> memref<1x16384xi32, #tpu.memory_space<hbm>>
      %dma_wait3A_156 = tpu.memref_squeeze %dma_wait3A_155 : memref<1x16384xi32, #tpu.memory_space<hbm>> -> memref<16384xi32, #tpu.memory_space<hbm>>
      %dma_wait3A_157 = arith.constant 8192 : i32
      %dma_wait3A_158 = tpu.memref_slice %dma_wait3A_156[%dma_wait3A_157] : memref<16384xi32, #tpu.memory_space<hbm>> -> memref<4096xi32, #tpu.memory_space<hbm>>
      tpu.wait_dma2 semaphore(%arg13 : memref<!tpu.dma_semaphore, #tpu.memory_space<semaphore_mem>>) src(%arg9 : memref<4096xi32, #tpu.memory_space<vmem>>) dst(%dma_wait3A_158 : memref<4096xi32, #tpu.memory_space<hbm>>)
      %dma_wait3A_159 = arith.constant 0 : i32
      %dma_wait3A_160 = tpu.memref_slice %arg6[%add3A, %dma_wait3A_159] : memref<26x16384xi32, #tpu.memory_space<hbm>> -> memref<1x16384xi32, #tpu.memory_space<hbm>>
      %dma_wait3A_161 = tpu.memref_squeeze %dma_wait3A_160 : memref<1x16384xi32, #tpu.memory_space<hbm>> -> memref<16384xi32, #tpu.memory_space<hbm>>
      %dma_wait3A_162 = arith.constant 12288 : i32
      %dma_wait3A_163 = tpu.memref_slice %dma_wait3A_161[%dma_wait3A_162] : memref<16384xi32, #tpu.memory_space<hbm>> -> memref<4096xi32, #tpu.memory_space<hbm>>
      %dma_wait3A_164 = arith.constant 0 : i32
      %dma_wait3A_165 = tpu.memref_slice %arg6[%add3A, %dma_wait3A_164] : memref<26x16384xi32, #tpu.memory_space<hbm>> -> memref<1x16384xi32, #tpu.memory_space<hbm>>
      %dma_wait3A_166 = tpu.memref_squeeze %dma_wait3A_165 : memref<1x16384xi32, #tpu.memory_space<hbm>> -> memref<16384xi32, #tpu.memory_space<hbm>>
      %dma_wait3A_167 = arith.constant 12288 : i32
      %dma_wait3A_168 = tpu.memref_slice %dma_wait3A_166[%dma_wait3A_167] : memref<16384xi32, #tpu.memory_space<hbm>> -> memref<4096xi32, #tpu.memory_space<hbm>>
      tpu.wait_dma2 semaphore(%arg14 : memref<!tpu.dma_semaphore, #tpu.memory_space<semaphore_mem>>) src(%arg10 : memref<4096xi32, #tpu.memory_space<vmem>>) dst(%dma_wait3A_168 : memref<4096xi32, #tpu.memory_space<hbm>>)
    } else {
    }
    return
  }
}

</mosaic_0001>

<sc_bundles>
// kernel: _sc_gather.3.cloned.1.call-start
scs
__scs_entry_jumppad:
0x0: {  	(pc) =	sbr.rel $0x88, $3  }
0x1: {  	(tag) =	ssettag $0x0;
	lr =	simm.s32 $0x1  }
0x2: {  	[smem:$0x3F9E] =	sst lr;
	_ =	strace $0xD0000000  }
0x3: {  	_ = 	snop  }
0x4: {  	_ = 	snop  }
0x5: {  	_ = 	snop  }
0x6: {  	_ = 	snop  }
0x7: {  	_ = 	snop  }
__scs_overlays_trampoline_lowered:
0x8: {  	[smem:$0x3FAD] =	sst s0  }
0x9: {  	[smem:$0x3FAE] =	sst s1  }
0xa: {  	[smem:$0x3FAF] =	sst s2  }
0xb: {  	[smem:$0x3FB0] =	sst s3  }
0xc: {  	[smem:$0x3FB1] =	sst s4  }
0xd: {  	[smem:$0x3FB2] =	sst s5  }
0xe: {  	[smem:$0x3FB3] =	sst s6  }
0xf: {  	[smem:$0x3FB4] =	sst s7  }
0x10: {  	[smem:$0x3FB5] =	sst s8  }
0x11: {  	[smem:$0x3FB6] =	sst s9;
	s0 =	simm.s32 @!p0 $0x0  }
0x12: {  	s1 =	sld [smem:$0x3F9C];
	s0 =	simm.s32 @p0 $0x1  }
0x13: {  	[smem:$0x3FB7] =	sst s0;
	s0 =	simm.s32 @!p1 $0x0  }
0x14: {  	s2 =	sld [smem:$0x3F9B];
	s0 =	simm.s32 @p1 $0x1  }
0x15: {  	[smem:$0x3FB8] =	sst s0;
	s0 =	simm.s32 @!p2 $0x0  }
0x16: {  	s3 =	sld [smem:$0x3FDB];
	s0 =	simm.s32 @p2 $0x1  }
0x17: {  	s4 =	simm.s32 $0x1BF5;
	[smem:$0x3FBA] =	sst s0  }
0x18: {  	s0 =	sld [smem:$0x3F9D];
	_ =	swait.ge [sflag:s4], $0x0  }
0x19: {  	s7 =	sld [smem:$0x3F9E]  }
0x1a: {  	s8 =	sadd.s32 $0xFFFFE003, lr  }
0x1b: {  	s9 =	sadd.s32 $0xFFFFFEF7, lr;
	s5 =	simm.s32 $0xFFFFFFFF;
	p2 =	slt.u32 s8, $0xFFFFF086  }
0x1c: {  	p1 =	slt.u32 s9, $0xF7A;
	s5 =	simm.s32 @!p2 $0x0  }
0x1d: {  	s5 =	simm.s32 @p1 $0x1;
	p0 =	seq.s32 s7, s2  }
0x1e: {  	s7 =	smul.u32 @!p0 $0xF7A, s2;
	p2 =	seq.s32 @!p0 s5, $0x0  }
0x1f: {  	s9 =	smul.u32 $0xF7A, s1;
	s8 =	simm.s32 @!p0 $0x1BF5;
	p2 =	por !p2, p0  }
0x20: {  	[sflag:s8] =	ssyncset.s32 @!p0 $0xFFFFF086;
	s6 =	sadd.s32 @!p0 s3, s7;
	s7 =	simm.s32 @!p0 $0x108  }
0x21: {  	s3 =	sadd.s32 s3, s9;
	s6 =	sadd.s32 @!p0 $0x88, s6;
	s7 =	simm.s32 @p2 $0x1082  }
0x22: {  	[simem:s7], [sflag:s8] =	dma.local @!p0 [hbm:s6], $0xF7A  }
0x23: {  	s9 =	sor.u32 $0xD0000000, s2;
	s6 =	simm.s32 $0x108;
	_ =	swait.ge @!p0 [sflag:s8], $0x0  }
0x24: {  	s3 =	sadd.s32 $0x88, s3;
	s6 =	simm.s32 @!p1 $0x1082;
	[sflag:s4] =	ssyncset.s32 $0xFFFFF086  }
0x25: {  	[simem:s6], [sflag:s4] =	dma.local [hbm:s3], $0xF7A  }
0x26: {  	[smem:$0x3F9E] =	sst s1;
	(tag) =	ssettag s2;
	_ =	strace s9  }
0x27: {  	s1 =	sld [smem:$0x3FAE]  }
0x28: {  	s2 =	sld [smem:$0x3FAF]  }
0x29: {  	s4 =	sld [smem:$0x3FB1]  }
0x2a: {  	p0 =	seq.s32 s5, $0x0;
	s5 =	sld [smem:$0x3FB2]  }
0x2b: {  	s6 =	sld [smem:$0x3FB3]  }
0x2c: {  	s7 =	sld [smem:$0x3FB4]  }
0x2d: {  	s3 =	simm.s32 $0x108;
	s8 =	sld [smem:$0x3FB5]  }
0x2e: {  	s3 =	simm.s32 @!p0 $0x1082;
	s9 =	sld [smem:$0x3FB6]  }
0x2f: {  	lr =	sadd.s32 s0, s3;
	s0 =	sld [smem:$0x3FAD]  }
0x30: {  	s3 =	sld [smem:$0x3FB0]  }
0x31: {  	[smem:$0x3FB9] =	sst s10  }
0x32: {  	s10 =	sld [smem:$0x3FB7];
	_ =	sdelay $0x3  }
0x33: {  	p0 =	seq.s32 s10, $0x1;
	s10 =	sld [smem:$0x3FB9];
	_ =	sdelay $0x3  }
0x34: {  	[smem:$0x3FB9] =	sst s10  }
0x35: {  	s10 =	sld [smem:$0x3FB8];
	_ =	sdelay $0x3  }
0x36: {  	p1 =	seq.s32 s10, $0x1;
	s10 =	sld [smem:$0x3FB9];
	_ =	sdelay $0x3  }
0x37: {  	[smem:$0x3FB9] =	sst s10  }
0x38: {  	s10 =	sld [smem:$0x3FBA]  }
0x39: {  	_ = 	snop;
	(pc) =	sbr.ind lr, $3  }
0x3a: {  	_ = 	snop  }
0x3b: {  	_ = 	snop  }
0x3c: {  	p2 =	seq.s32 s10, $0x1;
	s10 =	sld [smem:$0x3FB9]  }
0x3d: {  	_ =	shalt  }
0x3e: {  	_ =	shalt  }
0x3f: {  	_ =	shalt  }
0x40: {  	_ =	shalt  }
0x41: {  	_ =	shalt  }
0x42: {  	_ =	shalt  }
0x43: {  	_ =	shalt  }
0x44: {  	_ =	shalt  }
0x45: {  	_ =	shalt  }
0x46: {  	_ =	shalt  }
0x47: {  	_ =	shalt  }
0x48: {  	_ =	shalt  }
0x49: {  	_ =	shalt  }
0x4a: {  	_ =	shalt  }
0x4b: {  	_ =	shalt  }
0x4c: {  	_ =	shalt  }
0x4d: {  	_ =	shalt  }
0x4e: {  	_ =	shalt  }
0x4f: {  	_ =	shalt  }
0x50: {  	_ =	shalt  }
0x51: {  	_ =	shalt  }
0x52: {  	_ =	shalt  }
0x53: {  	_ =	shalt  }
0x54: {  	_ =	shalt  }
0x55: {  	_ =	shalt  }
0x56: {  	_ =	shalt  }
0x57: {  	_ =	shalt  }
0x58: {  	_ =	shalt  }
0x59: {  	_ =	shalt  }
0x5a: {  	_ =	shalt  }
0x5b: {  	_ =	shalt  }
0x5c: {  	_ =	shalt  }
0x5d: {  	_ =	shalt  }
0x5e: {  	_ =	shalt  }
0x5f: {  	_ =	shalt  }
0x60: {  	_ =	shalt  }
0x61: {  	_ =	shalt  }
0x62: {  	_ =	shalt  }
0x63: {  	_ =	shalt  }
0x64: {  	_ =	shalt  }
0x65: {  	_ =	shalt  }
0x66: {  	_ =	shalt  }
0x67: {  	_ =	shalt  }
0x68: {  	_ =	shalt  }
0x69: {  	_ =	shalt  }
0x6a: {  	_ =	shalt  }
0x6b: {  	_ =	shalt  }
0x6c: {  	_ =	shalt  }
0x6d: {  	_ =	shalt  }
0x6e: {  	_ =	shalt  }
0x6f: {  	_ =	shalt  }
0x70: {  	_ =	shalt  }
0x71: {  	_ =	shalt  }
0x72: {  	_ =	shalt  }
0x73: {  	_ =	shalt  }
0x74: {  	_ =	shalt  }
0x75: {  	_ =	shalt  }
0x76: {  	_ =	shalt  }
0x77: {  	_ =	shalt  }
0x78: {  	_ =	shalt  }
0x79: {  	_ =	shalt  }
0x7a: {  	_ =	shalt  }
0x7b: {  	_ =	shalt  }
0x7c: {  	_ =	shalt  }
0x7d: {  	_ =	shalt  }
0x7e: {  	_ =	shalt  }
0x7f: {  	_ =	shalt  }
0x80: {  	_ =	shalt  }
0x81: {  	_ =	shalt  }
0x82: {  	_ =	shalt  }
0x83: {  	_ =	shalt  }
0x84: {  	_ =	shalt  }
0x85: {  	_ =	shalt  }
0x86: {  	_ =	shalt  }
0x87: {  	_ =	shalt  }
.Lfunc_end0:
.L_simem_size_0:
called_computation_lowered:
.L_overlay_start_0:
0x88: {  	s2 =	sld [smem:$0x3FD9]  }
0x89: {  	s3 =	sld [smem:$0x3FFE];
	_ =	sdelay $0x1  }
0x8a: {  	s1 =	srdreg.scid  }
0x8b: {  	s0 =	sand.u32 $0x1, s1  }
0x8c: {  	s15 =	sshll.u32 s0, $0xA;
	s2 =	sadd.s32 s3, s2  }
0x8d: {  	s2 =	sadd.s32 s2, s15  }
0x8e: {  	[smem:$0x3FC5] =	sst s2  }
0x8f: {  	_ = 	snop  }
0x90: {  	s2 =	sld [smem:$0x3FD0]  }
0x91: {  	s16 =	sld [smem:$0x3FC9]  }
0x92: {  	s4 =	sld [smem:$0x3FC8]  }
0x93: {  	s6 =	simm.s32 $0xA;
	s7 =	simm.s32 $0x10;
	s5 =	sld [smem:$0x3FC7]  }
0x94: {  	[smem:s7], [sflag:s6] =	dma.local [hbm:s2], $0x1  }
0x95: {  	_ =	swait.eq [sflag:s6], $0x1  }
0x96: {  	[sflag:s6] =	ssyncset.done $0x0  }
0x97: {  	s17 =	sld [smem:$0x10];
	[sflag:s6] =	ssyncadd.s32 $0xFFFFFFFF  }
0x98: {  	s18 =	sld [smem:$0x11];
	(tm) =	ssettm $0x1  }
0x99: {  	s19 =	sld [smem:$0x3FFB];
	_ =	sdelay $0x3  }
0x9a: {  	_ =	strace s19  }
0x9b: {  	s7 =	sld [smem:$0x3FFC];
	_ =	sdelay $0x3  }
0x9c: {  	_ =	strace s7  }
0x9d: {  	s7 =	sld [smem:$0x3FFD];
	_ =	sdelay $0x3  }
0x9e: {  	_ =	strace s7  }
0x9f: {  	_ =	strace $0x8FFFFFFF  }
0xa0: {  	s20 =	sld [smem:$0x3FDB];
	_ =	sdelay $0x1  }
0xa1: {  	s8 =	simm.s32 $_scs_section_size  }
0xa2: {  	s9 =	simm.s32 $_size__tile_overlayer_lowered;
	s10 =	simm.s32 $_tile_overlayer_lowered  }
0xa3: {  	s23 =	simm.s32 $0x1BFF;
	s22 =	sshll.u32 s10, $0x1;
	s7 =	sadd.s32 s8, s20  }
0xa4: {  	s11 =	simm.s32 $0x0;
	s21 =	sshll.u32 s9, $0x1;
	s9 =	sadd.s32 s22, s7  }
0xa5: {  	[timem:s11], [sflag:s23] =	dma.local [hbm:s9], s21  }
0xa6: {  	_ =	swait.ge [sflag:s23], s21  }
0xa7: {  	s8 =	ssub.s32 $0x0, s21;
	[sflag:s23] =	ssyncset.done $0x0  }
0xa8: {  	[sflag:s23] =	ssyncadd.s32 s8;
	_ =	sdelay $0x1  }
0xa9: {  	s24 =	simm.s32 $0x1B8B  }
0xaa: {  	_ =	swait.ge [sflag:s24], $0x1  }
0xab: {  	[sflag:s24] =	ssyncset.done $0x0  }
0xac: {  	s25 =	simm.s32 $0x1B8E;
	[sflag:s24] =	ssyncadd.s32 $0xFFFFFFFF  }
0xad: {  	s26 =	simm.s32 $execute0_lowered;
	[smem:$0x3FD2] =	sst s25  }
0xae: {  	s8 =	sshll.u32 s26, $0x1;
	_ =	strace $0x80000046;
	[dreg:$0x1] =	wrdreg $0xFFFFFFFF  }
0xaf: {  	s28 =	simm.s32 $_size_execute0_lowered;
	s7 =	sadd.s32 s7, s8;
	[dreg:$0x0] =	wrdreg $0x0  }
0xb0: {  	s8 =	sshll.u32 s28, $0x1;
	[dreg:$0x2] =	wrdreg s7  }
0xb1: {  	[dreg:$0x3] =	wrdreg s8  }
0xb2: {  	[dreg:$0x4] =	wrdreg $0xC0  }
0xb3: {  	_ =	task [dreg:s11], $0x5FFFF  }
0xb4: {  	[dreg:$0x1] =	wrdreg $0xFFFFFFFF  }
0xb5: {  	[dreg:$0x0] =	wrdreg $0x60  }
0xb6: {  	[dreg:$0x2] =	wrdreg s16  }
0xb7: {  	[dreg:$0x3] =	wrdreg s4  }
0xb8: {  	[dreg:$0x4] =	wrdreg s5  }
0xb9: {  	[dreg:$0x5] =	wrdreg s17  }
0xba: {  	[dreg:$0x6] =	wrdreg s18  }
0xbb: {  	[dreg:$0x7] =	wrdreg $0x9  }
0xbc: {  	_ =	task.clear_ibuf [dreg:s11], $0x8FFFF;
	_ =	strace $0x90000046  }
0xbd: {  	s29 =	simm.s32 $0x9;
	_ =	strace $0x80000048  }
0xbe: {  	_ =	swait.ge [sflag:s29], $0x1  }
0xbf: {  	[sflag:s29] =	ssyncadd.s32 $0xFFFFFFFF  }
0xc0: {  	_ =	strace $0x90000048  }
0xc1: {  	_ =	sfence  }
0xc2: {  	s30 =	sld [smem:$0x0];
	_ =	sdelay $0x2  }
0xc3: {  	s31 =	sshll.u32 s1, $0xD;
	s1 =	sshrl.u32 s1, $0x2  }
0xc4: {  	s3 =	sand.u32 $0x4000, s31;
	s1 =	sadd.s32 s1, s30  }
0xc5: {  	s0 =	sor.u32 s3, s0;
	s1 =	sshll.u32 s1, $0x11  }
0xc6: {  	s0 =	sor.u32 s1, s0  }
0xc7: {  	s0 =	sadd.s32 $0x8F2B, s0  }
0xc8: {  	[sflag:s0] =	ssyncadd.remote.s32 $0x1  }
0xc9: {  	_ =	sfence.sel $0xFFFF  }
0xca: {  	[dreg:$0x0] =	wrdreg $0xFFFFFFFF;
	(pc) =	sbr.abs _section_cstart, $3  }
0xcb: {  	[dreg:$0x1] =	wrdreg $0xFFFFFFFF  }
0xcc: {  	_ =	task.clear_ibuf [dreg:s11], $0x2FFFF;
	_ =	strace $0x9FFFFFFF  }
0xcd: {  	(tm) =	ssettm $0x7FFFFFFF  }
tec
execute0_lowered:
.L_overlay_start_1:
0x0: {  	(tag) =	ssettag $0x1  }
0x1: {  	s1 =	rddreg [dreg:$0x0]  }
0x2: {  	s9 =	rddreg [dreg:$0x1]  }
0x3: {  	s3 =	rddreg [dreg:$0x2]  }
0x4: {  	s2 =	srdreg.scid;
	s4 =	rddreg [dreg:$0x3]  }
0x5: {  	s0 =	stileid.u32;
	s11 =	rddreg [dreg:$0x4]  }
0x6: {  	s6 =	simm.s32 $0x0;
	s17 =	simm.s32 $0x1;
	s18 =	simm.s32 $0x1C700  }
0x7: {  	s19 =	simm.s32 $0x1D700;
	s20 =	simm.s32 $0x3;
	s21 =	simm.s32 $0x4  }
0x8: {  	s7 =	sand.u32 $0x1, s2;
	s23 =	sshll.u32 s0, $0x1;
	s2 =	rddreg [dreg:$0x5]  }
0x9: {  	s22 =	simm.s32 $0x0;
	[smem:$0x7FF] =	sst s6;
	s8 =	sor.u32 s7, s23  }
0xa: {  	s14 =	sshll.u32 s0, $0xC;
	p0 =	sgt.u32 s0, $0xC;
	s5 =	smul.u32 $0xD, s8  }
0xb: {  	_ =	strace $0x80000047;
	s7 =	ssub.s32 $0x2, s7;
	s13 =	smul.u32 $0x280, s8  }
0xc: {  	s25 =	sshrl.u32 s7, $0x1;
	s15 =	sshll.u32 s8, $0x4;
	s16 =	smul.u32 $0x30E0, s8  }
0xd: {  	s14 =	sor.u32 s14, s15;
	s15 =	simm.s32 $0x18700;
	s10 =	sshrl.u32 s5, $0x4  }
0xe: {  	s12 =	sshll.u32 s5, $0x1C;
	s24 =	sand.u32 $0x380, s13;
	s26 =	sshll.u32 s5, $0x7  }
0xf: {  	s13 =	ssub.s32 s7, s25;
	s30 =	sand.u32 $0x70, s5;
	s31 =	sand.u32 $0xC070, s14  }
0x10: {  	s9 =	sadd.s32 s9, s16;
	s10 =	smul.u32 $0x187000, s10;
	s12 =	sshra.s32 s12, $0x1F  }
.Ltmp0:
0x11: {  	s14 =	simm.s32 $0x400;
	s12 =	sand.u32 $0xC3800, s12;
	(pc) =	sbr.rel .LBB2_1-.Ltmp0, $4  }
0x12: {  	s16 =	simm.s32 $0x2;
	s29 =	sand.u32 $0xC000, s26;
	s10 =	sadd.s32 s10, s12  }
0x13: {  	s11 =	sadd.s32 s11, s31;
	s12 =	sadd.s32 s1, s30;
	s10 =	sor.u32 s24, s10  }
0x14: {  	s8 =	sadd.s32 s29, s12;
	s12 =	smax.u32 s13, $0x1;
	s28 =	sshrl.u32 s10, $0x3  }
0x15: {  	s13 =	simm.s32 $0x80;
	s10 =	sadd.s32 s1, s31;
	s7 =	sadd.s32 s3, s28  }
.LBB2_25:
0x16: {  	s22 =	sadd.s32 $0x1, s22  }
0x17: {  	p1 =	sne.s32 s22, s12  }
.Ltmp1:
0x18: {  	_ = 	snop;
	(pc) =	sbr.rel @!p1 .LBB2_26-.Ltmp1, $1  }
0x19: {  	_ =	sdelay $0x3  }
.LBB2_1:
0x1a: {  	[tilespmem:s6], [sflag:$0x1] =	stream.strided.gather [hbm4b:s7+s13], $0x18700, s14, s13, $0x38;
	[tilespmem:$0x1E700] =	vst v63  }
0x1b: {  	_ = 	snop  }
0x1c: {  	[tilespmem:s15], [sflag:$0x2] =	stream.strided.gather [hbm4b:s8+s13], $0x4000, s14, s13, $0x38;
	[tilespmem:$0x1E700] =	vst v63  }
0x1d: {  	_ =	swait.ge [sflag:s16], $0x4000  }
0x1e: {  	[sflag:s16] =	ssyncset.done $0x0  }
0x1f: {  	s23 =	simm.s32 $0x0;
	[sflag:s16] =	ssyncadd.s32 $0xFFFFC000  }
.LBB2_2:
0x20: {  	s24 =	sadd.s32 s5, s23  }
0x21: {  	p1 =	seq.s32 s23, $0x0;
	s25 =	sand.u32 $0xF, s24  }
0x22: {  	p2 =	sne.s32 @!p1 s25, $0x0  }
0x23: {  	p1 =	por p2, p1  }
0x24: {  	s25 =	sshll.u32 @!p1 s24, $0x7;
	s26 =	sand.u32 @!p1 $0x70, s24  }
0x25: {  	s28 =	simm.s32 @!p1 $0x400;
	s25 =	sand.u32 @!p1 $0xFFFC000, s25;
	s26 =	sadd.s32 @!p1 s1, s26  }
0x26: {  	s29 =	simm.s32 @!p1 $0x18700;
	s25 =	sadd.s32 @!p1 s25, s26;
	s26 =	simm.s32 @!p1 $0x80  }
0x27: {  	[tilespmem:s29], [sflag:$0x2] =	stream.strided.gather @!p1 [hbm4b:s25+s26], $0x4000, s28, s26, $0x38;
	[tilespmem:$0x1E700] =	vst v63  }
0x28: {  	s25 =	simm.s32 @!p1 $0x2  }
0x29: {  	_ =	swait.ge @!p1 [sflag:s25], $0x4000  }
0x2a: {  	[sflag:s25] =	ssyncset.done @!p1 $0x0  }
0x2b: {  	[sflag:s25] =	ssyncadd.s32 @!p1 $0xFFFFC000  }
0x2c: {  	_ =	swait.ge [sflag:s17], $0x18700  }
0x2d: {  	[sflag:s17] =	ssyncset.done $0x0  }
0x2e: {  	s31 =	simm.s32 $0x18780;
	[sflag:s17] =	ssyncadd.s32 $0xFFFE7900  }
0x2f: {  	v0 =	vld [tilespmem:s31+$0x70]  }
0x30: {  	v1 =	vld [tilespmem:s31+$0xFFFFFF90]  }
0x31: {  	v2 =	vld [tilespmem:s31+$0xFFFFFFA0]  }
0x32: {  	v3 =	vld [tilespmem:s31+$0xFFFFFFB0]  }
0x33: {  	v4 =	vld [tilespmem:s31+$0xFFFFFFC0]  }
0x34: {  	v5 =	vld [tilespmem:s31+$0xFFFFFFD0]  }
0x35: {  	v6 =	vld [tilespmem:s31+$0xFFFFFFE0]  }
0x36: {  	v7 =	vld [tilespmem:s31+$0xFFFFFFF0]  }
0x37: {  	v8 =	vld [tilespmem:s31+$0x0]  }
0x38: {  	v9 =	vld [tilespmem:s31+$0x10]  }
0x39: {  	v10 =	vld [tilespmem:s31+$0x20]  }
0x3a: {  	v11 =	vld [tilespmem:s31+$0x30]  }
0x3b: {  	v12 =	vld [tilespmem:s31+$0x40]  }
0x3c: {  	v13 =	vld [tilespmem:s31+$0x50]  }
0x3d: {  	v14 =	vld [tilespmem:s31+$0x60]  }
0x3e: {  	v15 =	vld [tilespmem:s31+$0xFFFFFF80]  }
0x3f: {  	v0 =	vld.idx.msk [tilespmem:v0+s6+$0x0], $0xffff  }
0x40: {  	v1 =	vld.idx.msk [tilespmem:v1+s6+$0x0], $0xffff  }
0x41: {  	v2 =	vld.idx.msk [tilespmem:v2+s6+$0x0], $0xffff  }
0x42: {  	v3 =	vld.idx.msk [tilespmem:v3+s6+$0x0], $0xffff  }
0x43: {  	v4 =	vld.idx.msk [tilespmem:v4+s6+$0x0], $0xffff  }
0x44: {  	s25 =	simm.s32 $0x1C780;
	v5 =	vld.idx.msk [tilespmem:v5+s6+$0x0], $0xffff  }
0x45: {  	v6 =	vld.idx.msk [tilespmem:v6+s6+$0x0], $0xffff;
	[tilespmem:s25+$0x70] =	vst v0  }
0x46: {  	v7 =	vld.idx.msk [tilespmem:v7+s6+$0x0], $0xffff;
	[tilespmem:s25+$0xFFFFFF90] =	vst v1  }
0x47: {  	v15 =	vld.idx.msk [tilespmem:v15+s6+$0x0], $0xffff;
	[tilespmem:s25+$0xFFFFFFA0] =	vst v2  }
0x48: {  	[tilespmem:s25+$0xFFFFFFB0] =	vst v3;
	v3 =	vld.idx.msk [tilespmem:v8+s6+$0x0], $0xffff  }
0x49: {  	[tilespmem:s25+$0xFFFFFFC0] =	vst v4;
	v0 =	vld.idx.msk [tilespmem:v9+s6+$0x0], $0xffff  }
0x4a: {  	[tilespmem:s25+$0xFFFFFFD0] =	vst v5;
	v1 =	vld.idx.msk [tilespmem:v10+s6+$0x0], $0xffff  }
0x4b: {  	[tilespmem:s25+$0xFFFFFFE0] =	vst v6;
	v4 =	vld.idx.msk [tilespmem:v11+s6+$0x0], $0xffff  }
0x4c: {  	[tilespmem:s25+$0xFFFFFFF0] =	vst v7;
	v5 =	vld.idx.msk [tilespmem:v12+s6+$0x0], $0xffff  }
0x4d: {  	[tilespmem:s25+$0xFFFFFF80] =	vst v15;
	v2 =	vld.idx.msk [tilespmem:v13+s6+$0x0], $0xffff  }
0x4e: {  	s26 =	simm.s32 $0x0;
	s28 =	simm.s32 $0x18880;
	[tilespmem:s25+$0x0] =	vst v3;
	v3 =	vld.idx.msk [tilespmem:v14+s6+$0x0], $0xffff  }
.LBB2_3:
0x4f: {  	v6 =	vld [tilespmem:s28+$0x70];
	s26 =	sadd.s32 $0x10, s26;
	[tilespmem:s25+$0x10] =	vst v0  }
0x50: {  	v0 =	vld [tilespmem:s28+$0xFFFFFF90];
	p1 =	slt.u32 s26, $0xF0;
	[tilespmem:s25+$0x20] =	vst v1  }
0x51: {  	v1 =	vld [tilespmem:s28+$0xFFFFFFA0];
	[tilespmem:s25+$0x30] =	vst v4  }
0x52: {  	v4 =	vld [tilespmem:s28+$0xFFFFFFB0];
	[tilespmem:s25+$0x40] =	vst v5  }
0x53: {  	v5 =	vld [tilespmem:s28+$0xFFFFFFC0];
	[tilespmem:s25+$0x50] =	vst v2  }
0x54: {  	v2 =	vld [tilespmem:s28+$0xFFFFFFD0];
	[tilespmem:s25+$0x60] =	vst v3  }
0x55: {  	v3 =	vld [tilespmem:s28+$0xFFFFFFE0]  }
0x56: {  	v7 =	vld [tilespmem:s28+$0xFFFFFFF0]  }
0x57: {  	v6 =	vld.idx.msk [tilespmem:v6+s6+$0x0], $0xffff  }
0x58: {  	v8 =	vld [tilespmem:s28+$0x0]  }
0x59: {  	v9 =	vld [tilespmem:s28+$0x10]  }
0x5a: {  	v10 =	vld [tilespmem:s28+$0x20]  }
0x5b: {  	v11 =	vld [tilespmem:s28+$0x30]  }
0x5c: {  	s25 =	sadd.s32 $0x100, s25;
	v12 =	vld [tilespmem:s28+$0x40]  }
0x5d: {  	v13 =	vld [tilespmem:s28+$0x50];
	[tilespmem:s25+$0x70] =	vst v6  }
0x5e: {  	v6 =	vld [tilespmem:s28+$0x60]  }
0x5f: {  	v14 =	vld [tilespmem:s28+$0xFFFFFF80]  }
0x60: {  	v0 =	vld.idx.msk [tilespmem:v0+s6+$0x0], $0xffff  }
0x61: {  	v1 =	vld.idx.msk [tilespmem:v1+s6+$0x0], $0xffff  }
0x62: {  	v4 =	vld.idx.msk [tilespmem:v4+s6+$0x0], $0xffff  }
0x63: {  	v5 =	vld.idx.msk [tilespmem:v5+s6+$0x0], $0xffff  }
0x64: {  	v2 =	vld.idx.msk [tilespmem:v2+s6+$0x0], $0xffff  }
0x65: {  	v3 =	vld.idx.msk [tilespmem:v3+s6+$0x0], $0xffff  }
0x66: {  	[tilespmem:s25+$0xFFFFFF90] =	vst v0;
	v7 =	vld.idx.msk [tilespmem:v7+s6+$0x0], $0xffff  }
0x67: {  	v14 =	vld.idx.msk [tilespmem:v14+s6+$0x0], $0xffff;
	[tilespmem:s25+$0xFFFFFFA0] =	vst v1  }
0x68: {  	[tilespmem:s25+$0xFFFFFFB0] =	vst v4;
	v8 =	vld.idx.msk [tilespmem:v8+s6+$0x0], $0xffff  }
0x69: {  	[tilespmem:s25+$0xFFFFFFC0] =	vst v5;
	v0 =	vld.idx.msk [tilespmem:v9+s6+$0x0], $0xffff  }
.Ltmp2:
0x6a: {  	[tilespmem:s25+$0xFFFFFFD0] =	vst v2;
	v1 =	vld.idx.msk [tilespmem:v10+s6+$0x0], $0xffff;
	(pc) =	sbr.rel @p1 .LBB2_3-.Ltmp2, $4  }
0x6b: {  	[tilespmem:s25+$0xFFFFFFE0] =	vst v3;
	v4 =	vld.idx.msk [tilespmem:v11+s6+$0x0], $0xffff  }
0x6c: {  	[tilespmem:s25+$0xFFFFFFF0] =	vst v7;
	v5 =	vld.idx.msk [tilespmem:v12+s6+$0x0], $0xffff  }
0x6d: {  	[tilespmem:s25+$0xFFFFFF80] =	vst v14;
	v2 =	vld.idx.msk [tilespmem:v13+s6+$0x0], $0xffff  }
0x6e: {  	s28 =	sadd.s32 $0x100, s28;
	[tilespmem:s25+$0x0] =	vst v8;
	v3 =	vld.idx.msk [tilespmem:v6+s6+$0x0], $0xffff  }
0x6f: {  	[tilespmem:s25+$0x10] =	vst v0  }
0x70: {  	[tilespmem:s25+$0x20] =	vst v1  }
0x71: {  	s26 =	sshll.u32 s24, $0x4;
	[tilespmem:s25+$0x30] =	vst v4  }
0x72: {  	s28 =	sshll.u32 s24, $0xB;
	s26 =	sand.u32 $0x70, s26;
	[tilespmem:s25+$0x40] =	vst v5  }
0x73: {  	s28 =	sand.u32 $0xFFFC000, s28;
	s26 =	sadd.s32 s4, s26;
	[tilespmem:s25+$0x50] =	vst v2  }
0x74: {  	s31 =	simm.s32 $0x197F0;
	[tilespmem:s25+$0x60] =	vst v3;
	s25 =	sadd.s32 s28, s26  }
0x75: {  	[hbm4b:s25+s13] =	stream.strided.scatter [tilespmem:s18], [sflag:$0x3], $0x1000, s14, s13, $0x38;
	[tilespmem:$0x1E700] =	vst v63  }
0x76: {  	v0 =	vld [tilespmem:s31+$0x0]  }
0x77: {  	v1 =	vld [tilespmem:s31+$0xFFFFFF20]  }
0x78: {  	v2 =	vld [tilespmem:s31+$0xFFFFFF30]  }
0x79: {  	v3 =	vld [tilespmem:s31+$0xFFFFFF40]  }
0x7a: {  	v4 =	vld [tilespmem:s31+$0xFFFFFF50]  }
0x7b: {  	v5 =	vld [tilespmem:s31+$0xFFFFFF60]  }
0x7c: {  	v6 =	vld [tilespmem:s31+$0xFFFFFF70]  }
0x7d: {  	v7 =	vld [tilespmem:s31+$0xFFFFFF80]  }
0x7e: {  	v8 =	vld [tilespmem:s31+$0xFFFFFF90]  }
0x7f: {  	v9 =	vld [tilespmem:s31+$0xFFFFFFA0]  }
0x80: {  	v10 =	vld [tilespmem:s31+$0xFFFFFFB0]  }
0x81: {  	v11 =	vld [tilespmem:s31+$0xFFFFFFC0]  }
0x82: {  	v12 =	vld [tilespmem:s31+$0xFFFFFFD0]  }
0x83: {  	v13 =	vld [tilespmem:s31+$0xFFFFFFE0]  }
0x84: {  	v14 =	vld [tilespmem:s31+$0xFFFFFFF0]  }
0x85: {  	v15 =	vld [tilespmem:s31+$0xFFFFFF10]  }
0x86: {  	v0 =	vld.idx.msk [tilespmem:v0+s6+$0x0], $0xffff  }
0x87: {  	v1 =	vld.idx.msk [tilespmem:v1+s6+$0x0], $0xffff  }
0x88: {  	v2 =	vld.idx.msk [tilespmem:v2+s6+$0x0], $0xffff  }
0x89: {  	v3 =	vld.idx.msk [tilespmem:v3+s6+$0x0], $0xffff  }
0x8a: {  	v4 =	vld.idx.msk [tilespmem:v4+s6+$0x0], $0xffff  }
0x8b: {  	s26 =	simm.s32 $0x1D780;
	v5 =	vld.idx.msk [tilespmem:v5+s6+$0x0], $0xffff  }
0x8c: {  	v6 =	vld.idx.msk [tilespmem:v6+s6+$0x0], $0xffff;
	[tilespmem:s26+$0x70] =	vst v0  }
0x8d: {  	v7 =	vld.idx.msk [tilespmem:v7+s6+$0x0], $0xffff;
	[tilespmem:s26+$0xFFFFFF90] =	vst v1  }
0x8e: {  	v15 =	vld.idx.msk [tilespmem:v15+s6+$0x0], $0xffff;
	[tilespmem:s26+$0xFFFFFFA0] =	vst v2  }
0x8f: {  	v8 =	vld.idx.msk [tilespmem:v8+s6+$0x0], $0xffff;
	[tilespmem:s26+$0xFFFFFFB0] =	vst v3  }
0x90: {  	[tilespmem:s26+$0xFFFFFFC0] =	vst v4;
	v0 =	vld.idx.msk [tilespmem:v9+s6+$0x0], $0xffff  }
0x91: {  	[tilespmem:s26+$0xFFFFFFD0] =	vst v5;
	v1 =	vld.idx.msk [tilespmem:v10+s6+$0x0], $0xffff  }
0x92: {  	[tilespmem:s26+$0xFFFFFFE0] =	vst v6;
	v2 =	vld.idx.msk [tilespmem:v11+s6+$0x0], $0xffff  }
0x93: {  	[tilespmem:s26+$0xFFFFFFF0] =	vst v7;
	v3 =	vld.idx.msk [tilespmem:v12+s6+$0x0], $0xffff  }
0x94: {  	[tilespmem:s26+$0xFFFFFF80] =	vst v15;
	v4 =	vld.idx.msk [tilespmem:v13+s6+$0x0], $0xffff  }
0x95: {  	s29 =	simm.s32 $0x198F0;
	s28 =	simm.s32 $0x0;
	[tilespmem:s26+$0x0] =	vst v8;
	v5 =	vld.idx.msk [tilespmem:v14+s6+$0x0], $0xffff  }
.LBB2_5:
0x96: {  	v6 =	vld [tilespmem:s29+$0x0];
	s28 =	sadd.s32 $0x10, s28;
	[tilespmem:s26+$0x10] =	vst v0  }
0x97: {  	v0 =	vld [tilespmem:s29+$0xFFFFFF20];
	p1 =	slt.u32 s28, $0xF0;
	[tilespmem:s26+$0x20] =	vst v1  }
0x98: {  	v1 =	vld [tilespmem:s29+$0xFFFFFF30];
	[tilespmem:s26+$0x30] =	vst v2  }
0x99: {  	v2 =	vld [tilespmem:s29+$0xFFFFFF40];
	[tilespmem:s26+$0x40] =	vst v3  }
0x9a: {  	v3 =	vld [tilespmem:s29+$0xFFFFFF50];
	[tilespmem:s26+$0x50] =	vst v4  }
0x9b: {  	v4 =	vld [tilespmem:s29+$0xFFFFFF60];
	[tilespmem:s26+$0x60] =	vst v5  }
0x9c: {  	v5 =	vld [tilespmem:s29+$0xFFFFFF70]  }
0x9d: {  	v7 =	vld [tilespmem:s29+$0xFFFFFF80]  }
0x9e: {  	v6 =	vld.idx.msk [tilespmem:v6+s6+$0x0], $0xffff  }
0x9f: {  	v8 =	vld [tilespmem:s29+$0xFFFFFF90]  }
0xa0: {  	v9 =	vld [tilespmem:s29+$0xFFFFFFA0]  }
0xa1: {  	v10 =	vld [tilespmem:s29+$0xFFFFFFB0]  }
0xa2: {  	v11 =	vld [tilespmem:s29+$0xFFFFFFC0]  }
0xa3: {  	s26 =	sadd.s32 $0x100, s26;
	v12 =	vld [tilespmem:s29+$0xFFFFFFD0]  }
0xa4: {  	v13 =	vld [tilespmem:s29+$0xFFFFFFE0];
	[tilespmem:s26+$0x70] =	vst v6  }
0xa5: {  	v6 =	vld [tilespmem:s29+$0xFFFFFFF0]  }
0xa6: {  	v14 =	vld [tilespmem:s29+$0xFFFFFF10]  }
0xa7: {  	v0 =	vld.idx.msk [tilespmem:v0+s6+$0x0], $0xffff  }
0xa8: {  	v1 =	vld.idx.msk [tilespmem:v1+s6+$0x0], $0xffff  }
0xa9: {  	v2 =	vld.idx.msk [tilespmem:v2+s6+$0x0], $0xffff  }
0xaa: {  	v3 =	vld.idx.msk [tilespmem:v3+s6+$0x0], $0xffff  }
0xab: {  	v4 =	vld.idx.msk [tilespmem:v4+s6+$0x0], $0xffff  }
0xac: {  	v5 =	vld.idx.msk [tilespmem:v5+s6+$0x0], $0xffff  }
0xad: {  	[tilespmem:s26+$0xFFFFFF90] =	vst v0;
	v7 =	vld.idx.msk [tilespmem:v7+s6+$0x0], $0xffff  }
0xae: {  	v14 =	vld.idx.msk [tilespmem:v14+s6+$0x0], $0xffff;
	[tilespmem:s26+$0xFFFFFFA0] =	vst v1  }
0xaf: {  	[tilespmem:s26+$0xFFFFFFB0] =	vst v2;
	v8 =	vld.idx.msk [tilespmem:v8+s6+$0x0], $0xffff  }
0xb0: {  	[tilespmem:s26+$0xFFFFFFC0] =	vst v3;
	v0 =	vld.idx.msk [tilespmem:v9+s6+$0x0], $0xffff  }
.Ltmp3:
0xb1: {  	[tilespmem:s26+$0xFFFFFFD0] =	vst v4;
	v1 =	vld.idx.msk [tilespmem:v10+s6+$0x0], $0xffff;
	(pc) =	sbr.rel @p1 .LBB2_5-.Ltmp3, $4  }
0xb2: {  	[tilespmem:s26+$0xFFFFFFE0] =	vst v5;
	v2 =	vld.idx.msk [tilespmem:v11+s6+$0x0], $0xffff  }
0xb3: {  	[tilespmem:s26+$0xFFFFFFF0] =	vst v7;
	v3 =	vld.idx.msk [tilespmem:v12+s6+$0x0], $0xffff  }
0xb4: {  	[tilespmem:s26+$0xFFFFFF80] =	vst v14;
	v4 =	vld.idx.msk [tilespmem:v13+s6+$0x0], $0xffff  }
0xb5: {  	s29 =	sadd.s32 $0x100, s29;
	[tilespmem:s26+$0x0] =	vst v8;
	v5 =	vld.idx.msk [tilespmem:v6+s6+$0x0], $0xffff  }
0xb6: {  	[tilespmem:s26+$0x10] =	vst v0  }
0xb7: {  	[tilespmem:s26+$0x20] =	vst v1  }
0xb8: {  	[tilespmem:s26+$0x30] =	vst v2  }
0xb9: {  	[tilespmem:s26+$0x40] =	vst v3  }
0xba: {  	[tilespmem:s26+$0x50] =	vst v4  }
0xbb: {  	s30 =	sadd.s32 $0x1000, s25;
	[tilespmem:s26+$0x60] =	vst v5  }
0xbc: {  	[hbm4b:s30+s13] =	stream.strided.scatter [tilespmem:s19], [sflag:$0x4], $0x1000, s14, s13, $0x38;
	[tilespmem:$0x1E700] =	vst v63  }
0xbd: {  	_ =	swait.ge [sflag:s20], $0x1000  }
0xbe: {  	[sflag:s20] =	ssyncset.done $0x0  }
0xbf: {  	s31 =	simm.s32 $0x1A7F0;
	[sflag:s20] =	ssyncadd.s32 $0xFFFFF000  }
0xc0: {  	v0 =	vld [tilespmem:s31+$0x0]  }
0xc1: {  	v1 =	vld [tilespmem:s31+$0xFFFFFF20]  }
0xc2: {  	v2 =	vld [tilespmem:s31+$0xFFFFFF30]  }
0xc3: {  	v3 =	vld [tilespmem:s31+$0xFFFFFF40]  }
0xc4: {  	v4 =	vld [tilespmem:s31+$0xFFFFFF50]  }
0xc5: {  	v5 =	vld [tilespmem:s31+$0xFFFFFF60]  }
0xc6: {  	v6 =	vld [tilespmem:s31+$0xFFFFFF70]  }
0xc7: {  	v7 =	vld [tilespmem:s31+$0xFFFFFF80]  }
0xc8: {  	v8 =	vld [tilespmem:s31+$0xFFFFFF90]  }
0xc9: {  	v9 =	vld [tilespmem:s31+$0xFFFFFFA0]  }
0xca: {  	v10 =	vld [tilespmem:s31+$0xFFFFFFB0]  }
0xcb: {  	v11 =	vld [tilespmem:s31+$0xFFFFFFC0]  }
0xcc: {  	v12 =	vld [tilespmem:s31+$0xFFFFFFD0]  }
0xcd: {  	v13 =	vld [tilespmem:s31+$0xFFFFFFE0]  }
0xce: {  	v14 =	vld [tilespmem:s31+$0xFFFFFFF0]  }
0xcf: {  	v15 =	vld [tilespmem:s31+$0xFFFFFF10]  }
0xd0: {  	v0 =	vld.idx.msk [tilespmem:v0+s6+$0x0], $0xffff  }
0xd1: {  	v1 =	vld.idx.msk [tilespmem:v1+s6+$0x0], $0xffff  }
0xd2: {  	v2 =	vld.idx.msk [tilespmem:v2+s6+$0x0], $0xffff  }
0xd3: {  	v3 =	vld.idx.msk [tilespmem:v3+s6+$0x0], $0xffff  }
0xd4: {  	v4 =	vld.idx.msk [tilespmem:v4+s6+$0x0], $0xffff  }
0xd5: {  	s26 =	simm.s32 $0x1C780;
	v5 =	vld.idx.msk [tilespmem:v5+s6+$0x0], $0xffff  }
0xd6: {  	v6 =	vld.idx.msk [tilespmem:v6+s6+$0x0], $0xffff;
	[tilespmem:s26+$0x70] =	vst v0  }
0xd7: {  	v7 =	vld.idx.msk [tilespmem:v7+s6+$0x0], $0xffff;
	[tilespmem:s26+$0xFFFFFF90] =	vst v1  }
0xd8: {  	v15 =	vld.idx.msk [tilespmem:v15+s6+$0x0], $0xffff;
	[tilespmem:s26+$0xFFFFFFA0] =	vst v2  }
0xd9: {  	v8 =	vld.idx.msk [tilespmem:v8+s6+$0x0], $0xffff;
	[tilespmem:s26+$0xFFFFFFB0] =	vst v3  }
0xda: {  	[tilespmem:s26+$0xFFFFFFC0] =	vst v4;
	v0 =	vld.idx.msk [tilespmem:v9+s6+$0x0], $0xffff  }
0xdb: {  	[tilespmem:s26+$0xFFFFFFD0] =	vst v5;
	v1 =	vld.idx.msk [tilespmem:v10+s6+$0x0], $0xffff  }
0xdc: {  	[tilespmem:s26+$0xFFFFFFE0] =	vst v6;
	v2 =	vld.idx.msk [tilespmem:v11+s6+$0x0], $0xffff  }
0xdd: {  	[tilespmem:s26+$0xFFFFFFF0] =	vst v7;
	v3 =	vld.idx.msk [tilespmem:v12+s6+$0x0], $0xffff  }
0xde: {  	[tilespmem:s26+$0xFFFFFF80] =	vst v15;
	v4 =	vld.idx.msk [tilespmem:v13+s6+$0x0], $0xffff  }
0xdf: {  	s28 =	simm.s32 $0x0;
	s29 =	simm.s32 $0x1A8F0;
	[tilespmem:s26+$0x0] =	vst v8;
	v5 =	vld.idx.msk [tilespmem:v14+s6+$0x0], $0xffff  }
.LBB2_7:
0xe0: {  	v6 =	vld [tilespmem:s29+$0x0];
	s28 =	sadd.s32 $0x10, s28;
	[tilespmem:s26+$0x10] =	vst v0  }
0xe1: {  	v0 =	vld [tilespmem:s29+$0xFFFFFF20];
	p1 =	slt.u32 s28, $0xF0;
	[tilespmem:s26+$0x20] =	vst v1  }
0xe2: {  	v1 =	vld [tilespmem:s29+$0xFFFFFF30];
	[tilespmem:s26+$0x30] =	vst v2  }
0xe3: {  	v2 =	vld [tilespmem:s29+$0xFFFFFF40];
	[tilespmem:s26+$0x40] =	vst v3  }
0xe4: {  	v3 =	vld [tilespmem:s29+$0xFFFFFF50];
	[tilespmem:s26+$0x50] =	vst v4  }
0xe5: {  	v4 =	vld [tilespmem:s29+$0xFFFFFF60];
	[tilespmem:s26+$0x60] =	vst v5  }
0xe6: {  	v5 =	vld [tilespmem:s29+$0xFFFFFF70]  }
0xe7: {  	v7 =	vld [tilespmem:s29+$0xFFFFFF80]  }
0xe8: {  	v6 =	vld.idx.msk [tilespmem:v6+s6+$0x0], $0xffff  }
0xe9: {  	v8 =	vld [tilespmem:s29+$0xFFFFFF90]  }
0xea: {  	v9 =	vld [tilespmem:s29+$0xFFFFFFA0]  }
0xeb: {  	v10 =	vld [tilespmem:s29+$0xFFFFFFB0]  }
0xec: {  	v11 =	vld [tilespmem:s29+$0xFFFFFFC0]  }
0xed: {  	s26 =	sadd.s32 $0x100, s26;
	v12 =	vld [tilespmem:s29+$0xFFFFFFD0]  }
0xee: {  	v13 =	vld [tilespmem:s29+$0xFFFFFFE0];
	[tilespmem:s26+$0x70] =	vst v6  }
0xef: {  	v6 =	vld [tilespmem:s29+$0xFFFFFFF0]  }
0xf0: {  	v14 =	vld [tilespmem:s29+$0xFFFFFF10]  }
0xf1: {  	v0 =	vld.idx.msk [tilespmem:v0+s6+$0x0], $0xffff  }
0xf2: {  	v1 =	vld.idx.msk [tilespmem:v1+s6+$0x0], $0xffff  }
0xf3: {  	v2 =	vld.idx.msk [tilespmem:v2+s6+$0x0], $0xffff  }
0xf4: {  	v3 =	vld.idx.msk [tilespmem:v3+s6+$0x0], $0xffff  }
0xf5: {  	v4 =	vld.idx.msk [tilespmem:v4+s6+$0x0], $0xffff  }
0xf6: {  	v5 =	vld.idx.msk [tilespmem:v5+s6+$0x0], $0xffff  }
0xf7: {  	[tilespmem:s26+$0xFFFFFF90] =	vst v0;
	v7 =	vld.idx.msk [tilespmem:v7+s6+$0x0], $0xffff  }
0xf8: {  	v14 =	vld.idx.msk [tilespmem:v14+s6+$0x0], $0xffff;
	[tilespmem:s26+$0xFFFFFFA0] =	vst v1  }
0xf9: {  	[tilespmem:s26+$0xFFFFFFB0] =	vst v2;
	v8 =	vld.idx.msk [tilespmem:v8+s6+$0x0], $0xffff  }
0xfa: {  	[tilespmem:s26+$0xFFFFFFC0] =	vst v3;
	v0 =	vld.idx.msk [tilespmem:v9+s6+$0x0], $0xffff  }
.Ltmp4:
0xfb: {  	[tilespmem:s26+$0xFFFFFFD0] =	vst v4;
	v1 =	vld.idx.msk [tilespmem:v10+s6+$0x0], $0xffff;
	(pc) =	sbr.rel @p1 .LBB2_7-.Ltmp4, $4  }
0xfc: {  	[tilespmem:s26+$0xFFFFFFE0] =	vst v5;
	v2 =	vld.idx.msk [tilespmem:v11+s6+$0x0], $0xffff  }
0xfd: {  	[tilespmem:s26+$0xFFFFFFF0] =	vst v7;
	v3 =	vld.idx.msk [tilespmem:v12+s6+$0x0], $0xffff  }
0xfe: {  	[tilespmem:s26+$0xFFFFFF80] =	vst v14;
	v4 =	vld.idx.msk [tilespmem:v13+s6+$0x0], $0xffff  }
0xff: {  	s29 =	sadd.s32 $0x100, s29;
	[tilespmem:s26+$0x0] =	vst v8;
	v5 =	vld.idx.msk [tilespmem:v6+s6+$0x0], $0xffff  }
0x100: {  	[tilespmem:s26+$0x10] =	vst v0  }
0x101: {  	[tilespmem:s26+$0x20] =	vst v1  }
0x102: {  	[tilespmem:s26+$0x30] =	vst v2  }
0x103: {  	[tilespmem:s26+$0x40] =	vst v3  }
0x104: {  	[tilespmem:s26+$0x50] =	vst v4  }
0x105: {  	s30 =	sadd.s32 $0x2000, s25;
	[tilespmem:s26+$0x60] =	vst v5  }
0x106: {  	[hbm4b:s30+s13] =	stream.strided.scatter [tilespmem:s18], [sflag:$0x3], $0x1000, s14, s13, $0x38;
	[tilespmem:$0x1E700] =	vst v63  }
0x107: {  	_ =	swait.ge [sflag:s21], $0x1000  }
0x108: {  	[sflag:s21] =	ssyncset.done $0x0  }
0x109: {  	s31 =	simm.s32 $0x1B7F0;
	[sflag:s21] =	ssyncadd.s32 $0xFFFFF000  }
0x10a: {  	v0 =	vld [tilespmem:s31+$0x0]  }
0x10b: {  	v1 =	vld [tilespmem:s31+$0xFFFFFF20]  }
0x10c: {  	v2 =	vld [tilespmem:s31+$0xFFFFFF30]  }
0x10d: {  	v3 =	vld [tilespmem:s31+$0xFFFFFF40]  }
0x10e: {  	v4 =	vld [tilespmem:s31+$0xFFFFFF50]  }
0x10f: {  	v5 =	vld [tilespmem:s31+$0xFFFFFF60]  }
0x110: {  	v6 =	vld [tilespmem:s31+$0xFFFFFF70]  }
0x111: {  	v7 =	vld [tilespmem:s31+$0xFFFFFF80]  }
0x112: {  	v8 =	vld [tilespmem:s31+$0xFFFFFF90]  }
0x113: {  	v9 =	vld [tilespmem:s31+$0xFFFFFFA0]  }
0x114: {  	v10 =	vld [tilespmem:s31+$0xFFFFFFB0]  }
0x115: {  	v11 =	vld [tilespmem:s31+$0xFFFFFFC0]  }
0x116: {  	v12 =	vld [tilespmem:s31+$0xFFFFFFD0]  }
0x117: {  	v13 =	vld [tilespmem:s31+$0xFFFFFFE0]  }
0x118: {  	v14 =	vld [tilespmem:s31+$0xFFFFFFF0]  }
0x119: {  	v15 =	vld [tilespmem:s31+$0xFFFFFF10]  }
0x11a: {  	v0 =	vld.idx.msk [tilespmem:v0+s6+$0x0], $0xffff  }
0x11b: {  	v1 =	vld.idx.msk [tilespmem:v1+s6+$0x0], $0xffff  }
0x11c: {  	v2 =	vld.idx.msk [tilespmem:v2+s6+$0x0], $0xffff  }
0x11d: {  	v3 =	vld.idx.msk [tilespmem:v3+s6+$0x0], $0xffff  }
0x11e: {  	v4 =	vld.idx.msk [tilespmem:v4+s6+$0x0], $0xffff  }
0x11f: {  	s26 =	simm.s32 $0x1D780;
	v5 =	vld.idx.msk [tilespmem:v5+s6+$0x0], $0xffff  }
0x120: {  	v6 =	vld.idx.msk [tilespmem:v6+s6+$0x0], $0xffff;
	[tilespmem:s26+$0x70] =	vst v0  }
0x121: {  	v7 =	vld.idx.msk [tilespmem:v7+s6+$0x0], $0xffff;
	[tilespmem:s26+$0xFFFFFF90] =	vst v1  }
0x122: {  	v15 =	vld.idx.msk [tilespmem:v15+s6+$0x0], $0xffff;
	[tilespmem:s26+$0xFFFFFFA0] =	vst v2  }
0x123: {  	v8 =	vld.idx.msk [tilespmem:v8+s6+$0x0], $0xffff;
	[tilespmem:s26+$0xFFFFFFB0] =	vst v3  }
0x124: {  	[tilespmem:s26+$0xFFFFFFC0] =	vst v4;
	v0 =	vld.idx.msk [tilespmem:v9+s6+$0x0], $0xffff  }
0x125: {  	[tilespmem:s26+$0xFFFFFFD0] =	vst v5;
	v1 =	vld.idx.msk [tilespmem:v10+s6+$0x0], $0xffff  }
0x126: {  	[tilespmem:s26+$0xFFFFFFE0] =	vst v6;
	v2 =	vld.idx.msk [tilespmem:v11+s6+$0x0], $0xffff  }
0x127: {  	[tilespmem:s26+$0xFFFFFFF0] =	vst v7;
	v3 =	vld.idx.msk [tilespmem:v12+s6+$0x0], $0xffff  }
0x128: {  	[tilespmem:s26+$0xFFFFFF80] =	vst v15;
	v4 =	vld.idx.msk [tilespmem:v13+s6+$0x0], $0xffff  }
0x129: {  	s28 =	simm.s32 $0x0;
	s29 =	simm.s32 $0x1B8F0;
	[tilespmem:s26+$0x0] =	vst v8;
	v5 =	vld.idx.msk [tilespmem:v14+s6+$0x0], $0xffff  }
.LBB2_9:
0x12a: {  	v6 =	vld [tilespmem:s29+$0x0];
	s28 =	sadd.s32 $0x10, s28;
	[tilespmem:s26+$0x10] =	vst v0  }
0x12b: {  	v0 =	vld [tilespmem:s29+$0xFFFFFF20];
	p1 =	slt.u32 s28, $0xF0;
	[tilespmem:s26+$0x20] =	vst v1  }
0x12c: {  	v1 =	vld [tilespmem:s29+$0xFFFFFF30];
	[tilespmem:s26+$0x30] =	vst v2  }
0x12d: {  	v2 =	vld [tilespmem:s29+$0xFFFFFF40];
	[tilespmem:s26+$0x40] =	vst v3  }
0x12e: {  	v3 =	vld [tilespmem:s29+$0xFFFFFF50];
	[tilespmem:s26+$0x50] =	vst v4  }
0x12f: {  	v4 =	vld [tilespmem:s29+$0xFFFFFF60];
	[tilespmem:s26+$0x60] =	vst v5  }
0x130: {  	v5 =	vld [tilespmem:s29+$0xFFFFFF70]  }
0x131: {  	v7 =	vld [tilespmem:s29+$0xFFFFFF80]  }
0x132: {  	v6 =	vld.idx.msk [tilespmem:v6+s6+$0x0], $0xffff  }
0x133: {  	v8 =	vld [tilespmem:s29+$0xFFFFFF90]  }
0x134: {  	v9 =	vld [tilespmem:s29+$0xFFFFFFA0]  }
0x135: {  	v10 =	vld [tilespmem:s29+$0xFFFFFFB0]  }
0x136: {  	v11 =	vld [tilespmem:s29+$0xFFFFFFC0]  }
0x137: {  	s26 =	sadd.s32 $0x100, s26;
	v12 =	vld [tilespmem:s29+$0xFFFFFFD0]  }
0x138: {  	v13 =	vld [tilespmem:s29+$0xFFFFFFE0];
	[tilespmem:s26+$0x70] =	vst v6  }
0x139: {  	v6 =	vld [tilespmem:s29+$0xFFFFFFF0]  }
0x13a: {  	v14 =	vld [tilespmem:s29+$0xFFFFFF10]  }
0x13b: {  	v0 =	vld.idx.msk [tilespmem:v0+s6+$0x0], $0xffff  }
0x13c: {  	v1 =	vld.idx.msk [tilespmem:v1+s6+$0x0], $0xffff  }
0x13d: {  	v2 =	vld.idx.msk [tilespmem:v2+s6+$0x0], $0xffff  }
0x13e: {  	v3 =	vld.idx.msk [tilespmem:v3+s6+$0x0], $0xffff  }
0x13f: {  	v4 =	vld.idx.msk [tilespmem:v4+s6+$0x0], $0xffff  }
0x140: {  	v5 =	vld.idx.msk [tilespmem:v5+s6+$0x0], $0xffff  }
0x141: {  	[tilespmem:s26+$0xFFFFFF90] =	vst v0;
	v7 =	vld.idx.msk [tilespmem:v7+s6+$0x0], $0xffff  }
0x142: {  	v14 =	vld.idx.msk [tilespmem:v14+s6+$0x0], $0xffff;
	[tilespmem:s26+$0xFFFFFFA0] =	vst v1  }
0x143: {  	[tilespmem:s26+$0xFFFFFFB0] =	vst v2;
	v8 =	vld.idx.msk [tilespmem:v8+s6+$0x0], $0xffff  }
0x144: {  	[tilespmem:s26+$0xFFFFFFC0] =	vst v3;
	v0 =	vld.idx.msk [tilespmem:v9+s6+$0x0], $0xffff  }
.Ltmp5:
0x145: {  	[tilespmem:s26+$0xFFFFFFD0] =	vst v4;
	v1 =	vld.idx.msk [tilespmem:v10+s6+$0x0], $0xffff;
	(pc) =	sbr.rel @p1 .LBB2_9-.Ltmp5, $4  }
0x146: {  	[tilespmem:s26+$0xFFFFFFE0] =	vst v5;
	v2 =	vld.idx.msk [tilespmem:v11+s6+$0x0], $0xffff  }
0x147: {  	[tilespmem:s26+$0xFFFFFFF0] =	vst v7;
	v3 =	vld.idx.msk [tilespmem:v12+s6+$0x0], $0xffff  }
0x148: {  	[tilespmem:s26+$0xFFFFFF80] =	vst v14;
	v4 =	vld.idx.msk [tilespmem:v13+s6+$0x0], $0xffff  }
0x149: {  	s29 =	sadd.s32 $0x100, s29;
	[tilespmem:s26+$0x0] =	vst v8;
	v5 =	vld.idx.msk [tilespmem:v6+s6+$0x0], $0xffff  }
0x14a: {  	[tilespmem:s26+$0x10] =	vst v0  }
0x14b: {  	[tilespmem:s26+$0x20] =	vst v1  }
0x14c: {  	[tilespmem:s26+$0x30] =	vst v2  }
0x14d: {  	[tilespmem:s26+$0x40] =	vst v3  }
0x14e: {  	[tilespmem:s26+$0x50] =	vst v4  }
0x14f: {  	s25 =	sadd.s32 $0x3000, s25;
	[tilespmem:s26+$0x60] =	vst v5  }
0x150: {  	[hbm4b:s25+s13] =	stream.strided.scatter [tilespmem:s19], [sflag:$0x4], $0x1000, s14, s13, $0x38;
	[tilespmem:$0x1E700] =	vst v63  }
0x151: {  	p1 =	seq.s32 s23, $0xC;
	_ =	swait.ge [sflag:s20], $0x1000  }
.Ltmp6:
0x152: {  	[sflag:s20] =	ssyncset.done $0x0;
	(pc) =	sbr.rel @p1 .LBB2_14-.Ltmp6, $4  }
0x153: {  	[sflag:s20] =	ssyncadd.s32 $0xFFFFF000  }
0x154: {  	_ =	swait.ge [sflag:s21], $0x1000  }
0x155: {  	[sflag:s21] =	ssyncset.done $0x0  }
0x156: {  	[sflag:s21] =	ssyncadd.s32 $0xFFFFF000  }
0x157: {  	s24 =	sadd.s32 $0x1, s24  }
0x158: {  	s23 =	sadd.s32 $0x1, s23;
	s25 =	sshrl.u32 s24, $0x4;
	s26 =	sshll.u32 s24, $0x1C  }
0x159: {  	p1 =	seq.s32 @!p0 s23, $0xD;
	s25 =	smul.u32 $0x187000, s25;
	s26 =	sshra.s32 s26, $0x1F  }
0x15a: {  	s24 =	sshll.u32 s24, $0x7;
	p1 =	por p0, !p1;
	s26 =	sand.u32 $0xC3800, s26  }
.Ltmp7:
0x15b: {  	s24 =	sand.u32 $0x380, s24;
	s25 =	sadd.s32 s25, s26;
	(pc) =	sbr.rel @!p1 .LBB2_15-.Ltmp7, $4  }
0x15c: {  	s24 =	sor.u32 s24, s25  }
0x15d: {  	s24 =	sshrl.u32 s24, $0x3  }
0x15e: {  	s24 =	sadd.s32 s3, s24  }
0x15f: {  	[tilespmem:s6], [sflag:$0x1] =	stream.strided.gather [hbm4b:s24+s13], $0x18700, s14, s13, $0x38;
	[tilespmem:$0x1E700] =	vst v63  }
0x160: {  	p1 =	sne.s32 s23, $0xD  }
.Ltmp8:
0x161: {  	_ = 	snop;
	(pc) =	sbr.rel @p1 .LBB2_2-.Ltmp8, $1  }
0x162: {  	_ =	sdelay $0x3  }
.Ltmp9:
0x163: {  	(pc) =	sbr.rel @p0 .LBB2_25-.Ltmp9, $4  }
.Ltmp10:
0x164: {  	(pc) =	sbr.rel @!p0 .LBB2_16-.Ltmp10, $4  }
0x165: {  	_ = 	snop  }
0x166: {  	_ = 	snop  }
0x167: {  	_ = 	snop  }
0x168: {  	_ = 	snop  }
.LBB2_14:
.Ltmp11:
0x169: {  	(pc) =	sbr.rel @p0 .LBB2_25-.Ltmp11, $1  }
0x16a: {  	_ =	sdelay $0x3  }
.LBB2_15:
0x16b: {  	[tilespmem:s6], [sflag:$0x1] =	stream.linear.gather [hbm4b:s9+s6], $0x18700, $0x38;
	[tilespmem:$0x1E700] =	vst v63  }
.LBB2_16:
0x16c: {  	[tilespmem:s15], [sflag:$0x2] =	stream.strided.gather [hbm4b:s10+s13], $0x4000, s14, s13, $0x38;
	[tilespmem:$0x1E700] =	vst v63  }
0x16d: {  	_ =	swait.ge [sflag:s16], $0x4000  }
0x16e: {  	[sflag:s16] =	ssyncset.done $0x0  }
0x16f: {  	[sflag:s16] =	ssyncadd.s32 $0xFFFFC000  }
0x170: {  	_ =	swait.ge [sflag:s17], $0x18700  }
0x171: {  	[sflag:s17] =	ssyncset.done $0x0  }
0x172: {  	s23 =	simm.s32 $0x18780;
	[sflag:s17] =	ssyncadd.s32 $0xFFFE7900  }
0x173: {  	v0 =	vld [tilespmem:s23+$0x70]  }
0x174: {  	v1 =	vld [tilespmem:s23+$0xFFFFFF90]  }
0x175: {  	v2 =	vld [tilespmem:s23+$0xFFFFFFA0]  }
0x176: {  	v3 =	vld [tilespmem:s23+$0xFFFFFFB0]  }
0x177: {  	v4 =	vld [tilespmem:s23+$0xFFFFFFC0]  }
0x178: {  	v5 =	vld [tilespmem:s23+$0xFFFFFFD0]  }
0x179: {  	v6 =	vld [tilespmem:s23+$0xFFFFFFE0]  }
0x17a: {  	v7 =	vld [tilespmem:s23+$0xFFFFFFF0]  }
0x17b: {  	v8 =	vld [tilespmem:s23+$0x0]  }
0x17c: {  	v9 =	vld [tilespmem:s23+$0x10]  }
0x17d: {  	v10 =	vld [tilespmem:s23+$0x20]  }
0x17e: {  	v11 =	vld [tilespmem:s23+$0x30]  }
0x17f: {  	v12 =	vld [tilespmem:s23+$0x40]  }
0x180: {  	v13 =	vld [tilespmem:s23+$0x50]  }
0x181: {  	v14 =	vld [tilespmem:s23+$0x60]  }
0x182: {  	v15 =	vld [tilespmem:s23+$0xFFFFFF80]  }
0x183: {  	v0 =	vld.idx.msk [tilespmem:v0+s6+$0x0], $0xffff  }
0x184: {  	v1 =	vld.idx.msk [tilespmem:v1+s6+$0x0], $0xffff  }
0x185: {  	v2 =	vld.idx.msk [tilespmem:v2+s6+$0x0], $0xffff  }
0x186: {  	v3 =	vld.idx.msk [tilespmem:v3+s6+$0x0], $0xffff  }
0x187: {  	v4 =	vld.idx.msk [tilespmem:v4+s6+$0x0], $0xffff  }
0x188: {  	s23 =	simm.s32 $0x1C780;
	v5 =	vld.idx.msk [tilespmem:v5+s6+$0x0], $0xffff  }
0x189: {  	v6 =	vld.idx.msk [tilespmem:v6+s6+$0x0], $0xffff;
	[tilespmem:s23+$0x70] =	vst v0  }
0x18a: {  	v7 =	vld.idx.msk [tilespmem:v7+s6+$0x0], $0xffff;
	[tilespmem:s23+$0xFFFFFF90] =	vst v1  }
0x18b: {  	v15 =	vld.idx.msk [tilespmem:v15+s6+$0x0], $0xffff;
	[tilespmem:s23+$0xFFFFFFA0] =	vst v2  }
0x18c: {  	v8 =	vld.idx.msk [tilespmem:v8+s6+$0x0], $0xffff;
	[tilespmem:s23+$0xFFFFFFB0] =	vst v3  }
0x18d: {  	[tilespmem:s23+$0xFFFFFFC0] =	vst v4;
	v0 =	vld.idx.msk [tilespmem:v9+s6+$0x0], $0xffff  }
0x18e: {  	[tilespmem:s23+$0xFFFFFFD0] =	vst v5;
	v1 =	vld.idx.msk [tilespmem:v10+s6+$0x0], $0xffff  }
0x18f: {  	[tilespmem:s23+$0xFFFFFFE0] =	vst v6;
	v2 =	vld.idx.msk [tilespmem:v11+s6+$0x0], $0xffff  }
0x190: {  	[tilespmem:s23+$0xFFFFFFF0] =	vst v7;
	v3 =	vld.idx.msk [tilespmem:v12+s6+$0x0], $0xffff  }
0x191: {  	[tilespmem:s23+$0xFFFFFF80] =	vst v15;
	v4 =	vld.idx.msk [tilespmem:v13+s6+$0x0], $0xffff  }
0x192: {  	s24 =	simm.s32 $0x0;
	s25 =	simm.s32 $0x18880;
	[tilespmem:s23+$0x0] =	vst v8;
	v5 =	vld.idx.msk [tilespmem:v14+s6+$0x0], $0xffff  }
.LBB2_17:
0x193: {  	v6 =	vld [tilespmem:s25+$0x70];
	s24 =	sadd.s32 $0x10, s24;
	[tilespmem:s23+$0x10] =	vst v0  }
0x194: {  	v0 =	vld [tilespmem:s25+$0xFFFFFF90];
	p1 =	slt.u32 s24, $0xF0;
	[tilespmem:s23+$0x20] =	vst v1  }
0x195: {  	v1 =	vld [tilespmem:s25+$0xFFFFFFA0];
	[tilespmem:s23+$0x30] =	vst v2  }
0x196: {  	v2 =	vld [tilespmem:s25+$0xFFFFFFB0];
	[tilespmem:s23+$0x40] =	vst v3  }
0x197: {  	v3 =	vld [tilespmem:s25+$0xFFFFFFC0];
	[tilespmem:s23+$0x50] =	vst v4  }
0x198: {  	v4 =	vld [tilespmem:s25+$0xFFFFFFD0];
	[tilespmem:s23+$0x60] =	vst v5  }
0x199: {  	v5 =	vld [tilespmem:s25+$0xFFFFFFE0]  }
0x19a: {  	v7 =	vld [tilespmem:s25+$0xFFFFFFF0]  }
0x19b: {  	v6 =	vld.idx.msk [tilespmem:v6+s6+$0x0], $0xffff  }
0x19c: {  	v8 =	vld [tilespmem:s25+$0x0]  }
0x19d: {  	v9 =	vld [tilespmem:s25+$0x10]  }
0x19e: {  	v10 =	vld [tilespmem:s25+$0x20]  }
0x19f: {  	v11 =	vld [tilespmem:s25+$0x30]  }
0x1a0: {  	s23 =	sadd.s32 $0x100, s23;
	v12 =	vld [tilespmem:s25+$0x40]  }
0x1a1: {  	v13 =	vld [tilespmem:s25+$0x50];
	[tilespmem:s23+$0x70] =	vst v6  }
0x1a2: {  	v6 =	vld [tilespmem:s25+$0x60]  }
0x1a3: {  	v14 =	vld [tilespmem:s25+$0xFFFFFF80]  }
0x1a4: {  	v0 =	vld.idx.msk [tilespmem:v0+s6+$0x0], $0xffff  }
0x1a5: {  	v1 =	vld.idx.msk [tilespmem:v1+s6+$0x0], $0xffff  }
0x1a6: {  	v2 =	vld.idx.msk [tilespmem:v2+s6+$0x0], $0xffff  }
0x1a7: {  	v3 =	vld.idx.msk [tilespmem:v3+s6+$0x0], $0xffff  }
0x1a8: {  	v4 =	vld.idx.msk [tilespmem:v4+s6+$0x0], $0xffff  }
0x1a9: {  	v5 =	vld.idx.msk [tilespmem:v5+s6+$0x0], $0xffff  }
0x1aa: {  	[tilespmem:s23+$0xFFFFFF90] =	vst v0;
	v7 =	vld.idx.msk [tilespmem:v7+s6+$0x0], $0xffff  }
0x1ab: {  	v14 =	vld.idx.msk [tilespmem:v14+s6+$0x0], $0xffff;
	[tilespmem:s23+$0xFFFFFFA0] =	vst v1  }
0x1ac: {  	[tilespmem:s23+$0xFFFFFFB0] =	vst v2;
	v8 =	vld.idx.msk [tilespmem:v8+s6+$0x0], $0xffff  }
0x1ad: {  	[tilespmem:s23+$0xFFFFFFC0] =	vst v3;
	v0 =	vld.idx.msk [tilespmem:v9+s6+$0x0], $0xffff  }
.Ltmp12:
0x1ae: {  	[tilespmem:s23+$0xFFFFFFD0] =	vst v4;
	v1 =	vld.idx.msk [tilespmem:v10+s6+$0x0], $0xffff;
	(pc) =	sbr.rel @p1 .LBB2_17-.Ltmp12, $4  }
0x1af: {  	[tilespmem:s23+$0xFFFFFFE0] =	vst v5;
	v2 =	vld.idx.msk [tilespmem:v11+s6+$0x0], $0xffff  }
0x1b0: {  	[tilespmem:s23+$0xFFFFFFF0] =	vst v7;
	v3 =	vld.idx.msk [tilespmem:v12+s6+$0x0], $0xffff  }
0x1b1: {  	[tilespmem:s23+$0xFFFFFF80] =	vst v14;
	v4 =	vld.idx.msk [tilespmem:v13+s6+$0x0], $0xffff  }
0x1b2: {  	s25 =	sadd.s32 $0x100, s25;
	[tilespmem:s23+$0x0] =	vst v8;
	v5 =	vld.idx.msk [tilespmem:v6+s6+$0x0], $0xffff  }
0x1b3: {  	[tilespmem:s23+$0x10] =	vst v0  }
0x1b4: {  	[tilespmem:s23+$0x20] =	vst v1  }
0x1b5: {  	[tilespmem:s23+$0x30] =	vst v2  }
0x1b6: {  	[tilespmem:s23+$0x40] =	vst v3  }
0x1b7: {  	[tilespmem:s23+$0x50] =	vst v4  }
0x1b8: {  	s31 =	simm.s32 $0x197F0;
	[tilespmem:s23+$0x60] =	vst v5  }
0x1b9: {  	[hbm4b:s11+s13] =	stream.strided.scatter [tilespmem:s18], [sflag:$0x3], $0x1000, s14, s13, $0x38;
	[tilespmem:$0x1E700] =	vst v63  }
0x1ba: {  	v0 =	vld [tilespmem:s31+$0x0]  }
0x1bb: {  	v1 =	vld [tilespmem:s31+$0xFFFFFF20]  }
0x1bc: {  	v2 =	vld [tilespmem:s31+$0xFFFFFF30]  }
0x1bd: {  	v3 =	vld [tilespmem:s31+$0xFFFFFF40]  }
0x1be: {  	v4 =	vld [tilespmem:s31+$0xFFFFFF50]  }
0x1bf: {  	v5 =	vld [tilespmem:s31+$0xFFFFFF60]  }
0x1c0: {  	v6 =	vld [tilespmem:s31+$0xFFFFFF70]  }
0x1c1: {  	v7 =	vld [tilespmem:s31+$0xFFFFFF80]  }
0x1c2: {  	v8 =	vld [tilespmem:s31+$0xFFFFFF90]  }
0x1c3: {  	v9 =	vld [tilespmem:s31+$0xFFFFFFA0]  }
0x1c4: {  	v10 =	vld [tilespmem:s31+$0xFFFFFFB0]  }
0x1c5: {  	v11 =	vld [tilespmem:s31+$0xFFFFFFC0]  }
0x1c6: {  	v12 =	vld [tilespmem:s31+$0xFFFFFFD0]  }
0x1c7: {  	v13 =	vld [tilespmem:s31+$0xFFFFFFE0]  }
0x1c8: {  	v14 =	vld [tilespmem:s31+$0xFFFFFFF0]  }
0x1c9: {  	v15 =	vld [tilespmem:s31+$0xFFFFFF10]  }
0x1ca: {  	v0 =	vld.idx.msk [tilespmem:v0+s6+$0x0], $0xffff  }
0x1cb: {  	v1 =	vld.idx.msk [tilespmem:v1+s6+$0x0], $0xffff  }
0x1cc: {  	v2 =	vld.idx.msk [tilespmem:v2+s6+$0x0], $0xffff  }
0x1cd: {  	v3 =	vld.idx.msk [tilespmem:v3+s6+$0x0], $0xffff  }
0x1ce: {  	v4 =	vld.idx.msk [tilespmem:v4+s6+$0x0], $0xffff  }
0x1cf: {  	s23 =	simm.s32 $0x1D780;
	v5 =	vld.idx.msk [tilespmem:v5+s6+$0x0], $0xffff  }
0x1d0: {  	v6 =	vld.idx.msk [tilespmem:v6+s6+$0x0], $0xffff;
	[tilespmem:s23+$0x70] =	vst v0  }
0x1d1: {  	v7 =	vld.idx.msk [tilespmem:v7+s6+$0x0], $0xffff;
	[tilespmem:s23+$0xFFFFFF90] =	vst v1  }
0x1d2: {  	v15 =	vld.idx.msk [tilespmem:v15+s6+$0x0], $0xffff;
	[tilespmem:s23+$0xFFFFFFA0] =	vst v2  }
0x1d3: {  	v8 =	vld.idx.msk [tilespmem:v8+s6+$0x0], $0xffff;
	[tilespmem:s23+$0xFFFFFFB0] =	vst v3  }
0x1d4: {  	[tilespmem:s23+$0xFFFFFFC0] =	vst v4;
	v0 =	vld.idx.msk [tilespmem:v9+s6+$0x0], $0xffff  }
0x1d5: {  	[tilespmem:s23+$0xFFFFFFD0] =	vst v5;
	v1 =	vld.idx.msk [tilespmem:v10+s6+$0x0], $0xffff  }
0x1d6: {  	[tilespmem:s23+$0xFFFFFFE0] =	vst v6;
	v2 =	vld.idx.msk [tilespmem:v11+s6+$0x0], $0xffff  }
0x1d7: {  	[tilespmem:s23+$0xFFFFFFF0] =	vst v7;
	v3 =	vld.idx.msk [tilespmem:v12+s6+$0x0], $0xffff  }
0x1d8: {  	[tilespmem:s23+$0xFFFFFF80] =	vst v15;
	v4 =	vld.idx.msk [tilespmem:v13+s6+$0x0], $0xffff  }
0x1d9: {  	s24 =	simm.s32 $0x0;
	s25 =	simm.s32 $0x198F0;
	[tilespmem:s23+$0x0] =	vst v8;
	v5 =	vld.idx.msk [tilespmem:v14+s6+$0x0], $0xffff  }
.LBB2_19:
0x1da: {  	v6 =	vld [tilespmem:s25+$0x0];
	s24 =	sadd.s32 $0x10, s24;
	[tilespmem:s23+$0x10] =	vst v0  }
0x1db: {  	v0 =	vld [tilespmem:s25+$0xFFFFFF20];
	p1 =	slt.u32 s24, $0xF0;
	[tilespmem:s23+$0x20] =	vst v1  }
0x1dc: {  	v1 =	vld [tilespmem:s25+$0xFFFFFF30];
	[tilespmem:s23+$0x30] =	vst v2  }
0x1dd: {  	v2 =	vld [tilespmem:s25+$0xFFFFFF40];
	[tilespmem:s23+$0x40] =	vst v3  }
0x1de: {  	v3 =	vld [tilespmem:s25+$0xFFFFFF50];
	[tilespmem:s23+$0x50] =	vst v4  }
0x1df: {  	v4 =	vld [tilespmem:s25+$0xFFFFFF60];
	[tilespmem:s23+$0x60] =	vst v5  }
0x1e0: {  	v5 =	vld [tilespmem:s25+$0xFFFFFF70]  }
0x1e1: {  	v7 =	vld [tilespmem:s25+$0xFFFFFF80]  }
0x1e2: {  	v6 =	vld.idx.msk [tilespmem:v6+s6+$0x0], $0xffff  }
0x1e3: {  	v8 =	vld [tilespmem:s25+$0xFFFFFF90]  }
0x1e4: {  	v9 =	vld [tilespmem:s25+$0xFFFFFFA0]  }
0x1e5: {  	v10 =	vld [tilespmem:s25+$0xFFFFFFB0]  }
0x1e6: {  	v11 =	vld [tilespmem:s25+$0xFFFFFFC0]  }
0x1e7: {  	s23 =	sadd.s32 $0x100, s23;
	v12 =	vld [tilespmem:s25+$0xFFFFFFD0]  }
0x1e8: {  	v13 =	vld [tilespmem:s25+$0xFFFFFFE0];
	[tilespmem:s23+$0x70] =	vst v6  }
0x1e9: {  	v6 =	vld [tilespmem:s25+$0xFFFFFFF0]  }
0x1ea: {  	v14 =	vld [tilespmem:s25+$0xFFFFFF10]  }
0x1eb: {  	v0 =	vld.idx.msk [tilespmem:v0+s6+$0x0], $0xffff  }
0x1ec: {  	v1 =	vld.idx.msk [tilespmem:v1+s6+$0x0], $0xffff  }
0x1ed: {  	v2 =	vld.idx.msk [tilespmem:v2+s6+$0x0], $0xffff  }
0x1ee: {  	v3 =	vld.idx.msk [tilespmem:v3+s6+$0x0], $0xffff  }
0x1ef: {  	v4 =	vld.idx.msk [tilespmem:v4+s6+$0x0], $0xffff  }
0x1f0: {  	v5 =	vld.idx.msk [tilespmem:v5+s6+$0x0], $0xffff  }
0x1f1: {  	[tilespmem:s23+$0xFFFFFF90] =	vst v0;
	v7 =	vld.idx.msk [tilespmem:v7+s6+$0x0], $0xffff  }
0x1f2: {  	v14 =	vld.idx.msk [tilespmem:v14+s6+$0x0], $0xffff;
	[tilespmem:s23+$0xFFFFFFA0] =	vst v1  }
0x1f3: {  	[tilespmem:s23+$0xFFFFFFB0] =	vst v2;
	v8 =	vld.idx.msk [tilespmem:v8+s6+$0x0], $0xffff  }
0x1f4: {  	[tilespmem:s23+$0xFFFFFFC0] =	vst v3;
	v0 =	vld.idx.msk [tilespmem:v9+s6+$0x0], $0xffff  }
.Ltmp13:
0x1f5: {  	[tilespmem:s23+$0xFFFFFFD0] =	vst v4;
	v1 =	vld.idx.msk [tilespmem:v10+s6+$0x0], $0xffff;
	(pc) =	sbr.rel @p1 .LBB2_19-.Ltmp13, $4  }
0x1f6: {  	[tilespmem:s23+$0xFFFFFFE0] =	vst v5;
	v2 =	vld.idx.msk [tilespmem:v11+s6+$0x0], $0xffff  }
0x1f7: {  	[tilespmem:s23+$0xFFFFFFF0] =	vst v7;
	v3 =	vld.idx.msk [tilespmem:v12+s6+$0x0], $0xffff  }
0x1f8: {  	[tilespmem:s23+$0xFFFFFF80] =	vst v14;
	v4 =	vld.idx.msk [tilespmem:v13+s6+$0x0], $0xffff  }
0x1f9: {  	s25 =	sadd.s32 $0x100, s25;
	[tilespmem:s23+$0x0] =	vst v8;
	v5 =	vld.idx.msk [tilespmem:v6+s6+$0x0], $0xffff  }
0x1fa: {  	[tilespmem:s23+$0x10] =	vst v0  }
0x1fb: {  	[tilespmem:s23+$0x20] =	vst v1  }
0x1fc: {  	[tilespmem:s23+$0x30] =	vst v2  }
0x1fd: {  	[tilespmem:s23+$0x40] =	vst v3  }
0x1fe: {  	[tilespmem:s23+$0x50] =	vst v4  }
0x1ff: {  	s30 =	sadd.s32 $0x1000, s11;
	[tilespmem:s23+$0x60] =	vst v5  }
0x200: {  	[hbm4b:s30+s13] =	stream.strided.scatter [tilespmem:s19], [sflag:$0x4], $0x1000, s14, s13, $0x38;
	[tilespmem:$0x1E700] =	vst v63  }
0x201: {  	_ =	swait.ge [sflag:s20], $0x1000  }
0x202: {  	[sflag:s20] =	ssyncset.done $0x0  }
0x203: {  	s31 =	simm.s32 $0x1A7F0;
	[sflag:s20] =	ssyncadd.s32 $0xFFFFF000  }
0x204: {  	v0 =	vld [tilespmem:s31+$0x0]  }
0x205: {  	v1 =	vld [tilespmem:s31+$0xFFFFFF20]  }
0x206: {  	v2 =	vld [tilespmem:s31+$0xFFFFFF30]  }
0x207: {  	v3 =	vld [tilespmem:s31+$0xFFFFFF40]  }
0x208: {  	v4 =	vld [tilespmem:s31+$0xFFFFFF50]  }
0x209: {  	v5 =	vld [tilespmem:s31+$0xFFFFFF60]  }
0x20a: {  	v6 =	vld [tilespmem:s31+$0xFFFFFF70]  }
0x20b: {  	v7 =	vld [tilespmem:s31+$0xFFFFFF80]  }
0x20c: {  	v8 =	vld [tilespmem:s31+$0xFFFFFF90]  }
0x20d: {  	v9 =	vld [tilespmem:s31+$0xFFFFFFA0]  }
0x20e: {  	v10 =	vld [tilespmem:s31+$0xFFFFFFB0]  }
0x20f: {  	v11 =	vld [tilespmem:s31+$0xFFFFFFC0]  }
0x210: {  	v12 =	vld [tilespmem:s31+$0xFFFFFFD0]  }
0x211: {  	v13 =	vld [tilespmem:s31+$0xFFFFFFE0]  }
0x212: {  	v14 =	vld [tilespmem:s31+$0xFFFFFFF0]  }
0x213: {  	v15 =	vld [tilespmem:s31+$0xFFFFFF10]  }
0x214: {  	v0 =	vld.idx.msk [tilespmem:v0+s6+$0x0], $0xffff  }
0x215: {  	v1 =	vld.idx.msk [tilespmem:v1+s6+$0x0], $0xffff  }
0x216: {  	v2 =	vld.idx.msk [tilespmem:v2+s6+$0x0], $0xffff  }
0x217: {  	v3 =	vld.idx.msk [tilespmem:v3+s6+$0x0], $0xffff  }
0x218: {  	v4 =	vld.idx.msk [tilespmem:v4+s6+$0x0], $0xffff  }
0x219: {  	s23 =	simm.s32 $0x1C780;
	v5 =	vld.idx.msk [tilespmem:v5+s6+$0x0], $0xffff  }
0x21a: {  	v6 =	vld.idx.msk [tilespmem:v6+s6+$0x0], $0xffff;
	[tilespmem:s23+$0x70] =	vst v0  }
0x21b: {  	v7 =	vld.idx.msk [tilespmem:v7+s6+$0x0], $0xffff;
	[tilespmem:s23+$0xFFFFFF90] =	vst v1  }
0x21c: {  	v15 =	vld.idx.msk [tilespmem:v15+s6+$0x0], $0xffff;
	[tilespmem:s23+$0xFFFFFFA0] =	vst v2  }
0x21d: {  	v8 =	vld.idx.msk [tilespmem:v8+s6+$0x0], $0xffff;
	[tilespmem:s23+$0xFFFFFFB0] =	vst v3  }
0x21e: {  	[tilespmem:s23+$0xFFFFFFC0] =	vst v4;
	v0 =	vld.idx.msk [tilespmem:v9+s6+$0x0], $0xffff  }
0x21f: {  	[tilespmem:s23+$0xFFFFFFD0] =	vst v5;
	v1 =	vld.idx.msk [tilespmem:v10+s6+$0x0], $0xffff  }
0x220: {  	[tilespmem:s23+$0xFFFFFFE0] =	vst v6;
	v2 =	vld.idx.msk [tilespmem:v11+s6+$0x0], $0xffff  }
0x221: {  	[tilespmem:s23+$0xFFFFFFF0] =	vst v7;
	v3 =	vld.idx.msk [tilespmem:v12+s6+$0x0], $0xffff  }
0x222: {  	[tilespmem:s23+$0xFFFFFF80] =	vst v15;
	v4 =	vld.idx.msk [tilespmem:v13+s6+$0x0], $0xffff  }
0x223: {  	s24 =	simm.s32 $0x0;
	s25 =	simm.s32 $0x1A8F0;
	[tilespmem:s23+$0x0] =	vst v8;
	v5 =	vld.idx.msk [tilespmem:v14+s6+$0x0], $0xffff  }
.LBB2_21:
0x224: {  	v6 =	vld [tilespmem:s25+$0x0];
	s24 =	sadd.s32 $0x10, s24;
	[tilespmem:s23+$0x10] =	vst v0  }
0x225: {  	v0 =	vld [tilespmem:s25+$0xFFFFFF20];
	p1 =	slt.u32 s24, $0xF0;
	[tilespmem:s23+$0x20] =	vst v1  }
0x226: {  	v1 =	vld [tilespmem:s25+$0xFFFFFF30];
	[tilespmem:s23+$0x30] =	vst v2  }
0x227: {  	v2 =	vld [tilespmem:s25+$0xFFFFFF40];
	[tilespmem:s23+$0x40] =	vst v3  }
0x228: {  	v3 =	vld [tilespmem:s25+$0xFFFFFF50];
	[tilespmem:s23+$0x50] =	vst v4  }
0x229: {  	v4 =	vld [tilespmem:s25+$0xFFFFFF60];
	[tilespmem:s23+$0x60] =	vst v5  }
0x22a: {  	v5 =	vld [tilespmem:s25+$0xFFFFFF70]  }
0x22b: {  	v7 =	vld [tilespmem:s25+$0xFFFFFF80]  }
0x22c: {  	v6 =	vld.idx.msk [tilespmem:v6+s6+$0x0], $0xffff  }
0x22d: {  	v8 =	vld [tilespmem:s25+$0xFFFFFF90]  }
0x22e: {  	v9 =	vld [tilespmem:s25+$0xFFFFFFA0]  }
0x22f: {  	v10 =	vld [tilespmem:s25+$0xFFFFFFB0]  }
0x230: {  	v11 =	vld [tilespmem:s25+$0xFFFFFFC0]  }
0x231: {  	s23 =	sadd.s32 $0x100, s23;
	v12 =	vld [tilespmem:s25+$0xFFFFFFD0]  }
0x232: {  	v13 =	vld [tilespmem:s25+$0xFFFFFFE0];
	[tilespmem:s23+$0x70] =	vst v6  }
0x233: {  	v6 =	vld [tilespmem:s25+$0xFFFFFFF0]  }
0x234: {  	v14 =	vld [tilespmem:s25+$0xFFFFFF10]  }
0x235: {  	v0 =	vld.idx.msk [tilespmem:v0+s6+$0x0], $0xffff  }
0x236: {  	v1 =	vld.idx.msk [tilespmem:v1+s6+$0x0], $0xffff  }
0x237: {  	v2 =	vld.idx.msk [tilespmem:v2+s6+$0x0], $0xffff  }
0x238: {  	v3 =	vld.idx.msk [tilespmem:v3+s6+$0x0], $0xffff  }
0x239: {  	v4 =	vld.idx.msk [tilespmem:v4+s6+$0x0], $0xffff  }
0x23a: {  	v5 =	vld.idx.msk [tilespmem:v5+s6+$0x0], $0xffff  }
0x23b: {  	[tilespmem:s23+$0xFFFFFF90] =	vst v0;
	v7 =	vld.idx.msk [tilespmem:v7+s6+$0x0], $0xffff  }
0x23c: {  	v14 =	vld.idx.msk [tilespmem:v14+s6+$0x0], $0xffff;
	[tilespmem:s23+$0xFFFFFFA0] =	vst v1  }
0x23d: {  	[tilespmem:s23+$0xFFFFFFB0] =	vst v2;
	v8 =	vld.idx.msk [tilespmem:v8+s6+$0x0], $0xffff  }
0x23e: {  	[tilespmem:s23+$0xFFFFFFC0] =	vst v3;
	v0 =	vld.idx.msk [tilespmem:v9+s6+$0x0], $0xffff  }
.Ltmp14:
0x23f: {  	[tilespmem:s23+$0xFFFFFFD0] =	vst v4;
	v1 =	vld.idx.msk [tilespmem:v10+s6+$0x0], $0xffff;
	(pc) =	sbr.rel @p1 .LBB2_21-.Ltmp14, $4  }
0x240: {  	[tilespmem:s23+$0xFFFFFFE0] =	vst v5;
	v2 =	vld.idx.msk [tilespmem:v11+s6+$0x0], $0xffff  }
0x241: {  	[tilespmem:s23+$0xFFFFFFF0] =	vst v7;
	v3 =	vld.idx.msk [tilespmem:v12+s6+$0x0], $0xffff  }
0x242: {  	[tilespmem:s23+$0xFFFFFF80] =	vst v14;
	v4 =	vld.idx.msk [tilespmem:v13+s6+$0x0], $0xffff  }
0x243: {  	s25 =	sadd.s32 $0x100, s25;
	[tilespmem:s23+$0x0] =	vst v8;
	v5 =	vld.idx.msk [tilespmem:v6+s6+$0x0], $0xffff  }
0x244: {  	[tilespmem:s23+$0x10] =	vst v0  }
0x245: {  	[tilespmem:s23+$0x20] =	vst v1  }
0x246: {  	[tilespmem:s23+$0x30] =	vst v2  }
0x247: {  	[tilespmem:s23+$0x40] =	vst v3  }
0x248: {  	[tilespmem:s23+$0x50] =	vst v4  }
0x249: {  	s30 =	sadd.s32 $0x2000, s11;
	[tilespmem:s23+$0x60] =	vst v5  }
0x24a: {  	[hbm4b:s30+s13] =	stream.strided.scatter [tilespmem:s18], [sflag:$0x3], $0x1000, s14, s13, $0x38;
	[tilespmem:$0x1E700] =	vst v63  }
0x24b: {  	_ =	swait.ge [sflag:s21], $0x1000  }
0x24c: {  	[sflag:s21] =	ssyncset.done $0x0  }
0x24d: {  	s31 =	simm.s32 $0x1B7F0;
	[sflag:s21] =	ssyncadd.s32 $0xFFFFF000  }
0x24e: {  	v0 =	vld [tilespmem:s31+$0x0]  }
0x24f: {  	v1 =	vld [tilespmem:s31+$0xFFFFFF20]  }
0x250: {  	v2 =	vld [tilespmem:s31+$0xFFFFFF30]  }
0x251: {  	v3 =	vld [tilespmem:s31+$0xFFFFFF40]  }
0x252: {  	v4 =	vld [tilespmem:s31+$0xFFFFFF50]  }
0x253: {  	v5 =	vld [tilespmem:s31+$0xFFFFFF60]  }
0x254: {  	v6 =	vld [tilespmem:s31+$0xFFFFFF70]  }
0x255: {  	v7 =	vld [tilespmem:s31+$0xFFFFFF80]  }
0x256: {  	v8 =	vld [tilespmem:s31+$0xFFFFFF90]  }
0x257: {  	v9 =	vld [tilespmem:s31+$0xFFFFFFA0]  }
0x258: {  	v10 =	vld [tilespmem:s31+$0xFFFFFFB0]  }
0x259: {  	v11 =	vld [tilespmem:s31+$0xFFFFFFC0]  }
0x25a: {  	v12 =	vld [tilespmem:s31+$0xFFFFFFD0]  }
0x25b: {  	v13 =	vld [tilespmem:s31+$0xFFFFFFE0]  }
0x25c: {  	v14 =	vld [tilespmem:s31+$0xFFFFFFF0]  }
0x25d: {  	v15 =	vld [tilespmem:s31+$0xFFFFFF10]  }
0x25e: {  	v0 =	vld.idx.msk [tilespmem:v0+s6+$0x0], $0xffff  }
0x25f: {  	v1 =	vld.idx.msk [tilespmem:v1+s6+$0x0], $0xffff  }
0x260: {  	v2 =	vld.idx.msk [tilespmem:v2+s6+$0x0], $0xffff  }
0x261: {  	v3 =	vld.idx.msk [tilespmem:v3+s6+$0x0], $0xffff  }
0x262: {  	v4 =	vld.idx.msk [tilespmem:v4+s6+$0x0], $0xffff  }
0x263: {  	s23 =	simm.s32 $0x1D780;
	v5 =	vld.idx.msk [tilespmem:v5+s6+$0x0], $0xffff  }
0x264: {  	v6 =	vld.idx.msk [tilespmem:v6+s6+$0x0], $0xffff;
	[tilespmem:s23+$0x70] =	vst v0  }
0x265: {  	v7 =	vld.idx.msk [tilespmem:v7+s6+$0x0], $0xffff;
	[tilespmem:s23+$0xFFFFFF90] =	vst v1  }
0x266: {  	v15 =	vld.idx.msk [tilespmem:v15+s6+$0x0], $0xffff;
	[tilespmem:s23+$0xFFFFFFA0] =	vst v2  }
0x267: {  	v8 =	vld.idx.msk [tilespmem:v8+s6+$0x0], $0xffff;
	[tilespmem:s23+$0xFFFFFFB0] =	vst v3  }
0x268: {  	[tilespmem:s23+$0xFFFFFFC0] =	vst v4;
	v0 =	vld.idx.msk [tilespmem:v9+s6+$0x0], $0xffff  }
0x269: {  	[tilespmem:s23+$0xFFFFFFD0] =	vst v5;
	v1 =	vld.idx.msk [tilespmem:v10+s6+$0x0], $0xffff  }
0x26a: {  	[tilespmem:s23+$0xFFFFFFE0] =	vst v6;
	v2 =	vld.idx.msk [tilespmem:v11+s6+$0x0], $0xffff  }
0x26b: {  	[tilespmem:s23+$0xFFFFFFF0] =	vst v7;
	v3 =	vld.idx.msk [tilespmem:v12+s6+$0x0], $0xffff  }
0x26c: {  	[tilespmem:s23+$0xFFFFFF80] =	vst v15;
	v4 =	vld.idx.msk [tilespmem:v13+s6+$0x0], $0xffff  }
0x26d: {  	s24 =	simm.s32 $0x0;
	s25 =	simm.s32 $0x1B8F0;
	[tilespmem:s23+$0x0] =	vst v8;
	v5 =	vld.idx.msk [tilespmem:v14+s6+$0x0], $0xffff  }
.LBB2_23:
0x26e: {  	v6 =	vld [tilespmem:s25+$0x0];
	s24 =	sadd.s32 $0x10, s24;
	[tilespmem:s23+$0x10] =	vst v0  }
0x26f: {  	v0 =	vld [tilespmem:s25+$0xFFFFFF20];
	p1 =	slt.u32 s24, $0xF0;
	[tilespmem:s23+$0x20] =	vst v1  }
0x270: {  	v1 =	vld [tilespmem:s25+$0xFFFFFF30];
	[tilespmem:s23+$0x30] =	vst v2  }
0x271: {  	v2 =	vld [tilespmem:s25+$0xFFFFFF40];
	[tilespmem:s23+$0x40] =	vst v3  }
0x272: {  	v3 =	vld [tilespmem:s25+$0xFFFFFF50];
	[tilespmem:s23+$0x50] =	vst v4  }
0x273: {  	v4 =	vld [tilespmem:s25+$0xFFFFFF60];
	[tilespmem:s23+$0x60] =	vst v5  }
0x274: {  	v5 =	vld [tilespmem:s25+$0xFFFFFF70]  }
0x275: {  	v7 =	vld [tilespmem:s25+$0xFFFFFF80]  }
0x276: {  	v6 =	vld.idx.msk [tilespmem:v6+s6+$0x0], $0xffff  }
0x277: {  	v8 =	vld [tilespmem:s25+$0xFFFFFF90]  }
0x278: {  	v9 =	vld [tilespmem:s25+$0xFFFFFFA0]  }
0x279: {  	v10 =	vld [tilespmem:s25+$0xFFFFFFB0]  }
0x27a: {  	v11 =	vld [tilespmem:s25+$0xFFFFFFC0]  }
0x27b: {  	s23 =	sadd.s32 $0x100, s23;
	v12 =	vld [tilespmem:s25+$0xFFFFFFD0]  }
0x27c: {  	v13 =	vld [tilespmem:s25+$0xFFFFFFE0];
	[tilespmem:s23+$0x70] =	vst v6  }
0x27d: {  	v6 =	vld [tilespmem:s25+$0xFFFFFFF0]  }
0x27e: {  	v14 =	vld [tilespmem:s25+$0xFFFFFF10]  }
0x27f: {  	v0 =	vld.idx.msk [tilespmem:v0+s6+$0x0], $0xffff  }
0x280: {  	v1 =	vld.idx.msk [tilespmem:v1+s6+$0x0], $0xffff  }
0x281: {  	v2 =	vld.idx.msk [tilespmem:v2+s6+$0x0], $0xffff  }
0x282: {  	v3 =	vld.idx.msk [tilespmem:v3+s6+$0x0], $0xffff  }
0x283: {  	v4 =	vld.idx.msk [tilespmem:v4+s6+$0x0], $0xffff  }
0x284: {  	v5 =	vld.idx.msk [tilespmem:v5+s6+$0x0], $0xffff  }
0x285: {  	[tilespmem:s23+$0xFFFFFF90] =	vst v0;
	v7 =	vld.idx.msk [tilespmem:v7+s6+$0x0], $0xffff  }
0x286: {  	v14 =	vld.idx.msk [tilespmem:v14+s6+$0x0], $0xffff;
	[tilespmem:s23+$0xFFFFFFA0] =	vst v1  }
0x287: {  	[tilespmem:s23+$0xFFFFFFB0] =	vst v2;
	v8 =	vld.idx.msk [tilespmem:v8+s6+$0x0], $0xffff  }
0x288: {  	[tilespmem:s23+$0xFFFFFFC0] =	vst v3;
	v0 =	vld.idx.msk [tilespmem:v9+s6+$0x0], $0xffff  }
.Ltmp15:
0x289: {  	[tilespmem:s23+$0xFFFFFFD0] =	vst v4;
	v1 =	vld.idx.msk [tilespmem:v10+s6+$0x0], $0xffff;
	(pc) =	sbr.rel @p1 .LBB2_23-.Ltmp15, $4  }
0x28a: {  	[tilespmem:s23+$0xFFFFFFE0] =	vst v5;
	v2 =	vld.idx.msk [tilespmem:v11+s6+$0x0], $0xffff  }
0x28b: {  	[tilespmem:s23+$0xFFFFFFF0] =	vst v7;
	v3 =	vld.idx.msk [tilespmem:v12+s6+$0x0], $0xffff  }
0x28c: {  	[tilespmem:s23+$0xFFFFFF80] =	vst v14;
	v4 =	vld.idx.msk [tilespmem:v13+s6+$0x0], $0xffff  }
0x28d: {  	s25 =	sadd.s32 $0x100, s25;
	[tilespmem:s23+$0x0] =	vst v8;
	v5 =	vld.idx.msk [tilespmem:v6+s6+$0x0], $0xffff  }
0x28e: {  	[tilespmem:s23+$0x10] =	vst v0  }
0x28f: {  	[tilespmem:s23+$0x20] =	vst v1  }
0x290: {  	[tilespmem:s23+$0x30] =	vst v2  }
0x291: {  	[tilespmem:s23+$0x40] =	vst v3  }
0x292: {  	[tilespmem:s23+$0x50] =	vst v4  }
0x293: {  	s31 =	sadd.s32 $0x3000, s11;
	[tilespmem:s23+$0x60] =	vst v5  }
0x294: {  	[hbm4b:s31+s13] =	stream.strided.scatter [tilespmem:s19], [sflag:$0x4], $0x1000, s14, s13, $0x38;
	[tilespmem:$0x1E700] =	vst v63  }
0x295: {  	_ =	swait.ge [sflag:s20], $0x1000  }
.Ltmp16:
0x296: {  	[sflag:s20] =	ssyncset.done $0x0;
	(pc) =	sbr.rel .LBB2_25-.Ltmp16, $4  }
0x297: {  	[sflag:s20] =	ssyncadd.s32 $0xFFFFF000  }
0x298: {  	_ =	swait.ge [sflag:s21], $0x1000  }
0x299: {  	[sflag:s21] =	ssyncset.done $0x0  }
0x29a: {  	[sflag:s21] =	ssyncadd.s32 $0xFFFFF000  }
.LBB2_26:
0x29b: {  	_ =	sfence.sel $0x180000  }
0x29c: {  	[bflag:$0x0] =	sbarrier.arrive $0xFFFF  }
0x29d: {  	p0 =	sne.s32 s0, $0x0;
	_ =	strace $0x90000047  }
0x29e: {  	s0 =	sadd.s32 @!p0 $0x100000, s2;
	[bflag:$0x2] =	sbarrier.arrive $0xFFFF  }
0x29f: {  	[sflag:s0] =	ssyncadd.tile.s32 @!p0 $0x1;
	_ =	shalt  }
.Lfunc_end2:
_tile_overlayer_lowered:
.L_overlay_start_2:
0x2a0: {  	(tag) =	ssettag $0x2  }
0x2a1: {  	s0 =	rddreg [dreg:$0x0];
	s2 =	stileid.u32  }
0x2a2: {  	s1 =	rddreg [dreg:$0x1];
	p0 =	sne.s32 s2, $0x0  }
0x2a3: {  	s3 =	rddreg [dreg:$0x2];
	[bflag:$0x3] =	sbarrier.arrive $0xFFFF;
	s2 =	simm.s32 @!p0 $0x1C05  }
0x2a4: {  	[timem:s3], [sflag:s2] =	dma.local @!p0 [hbm:s0], s1  }
0x2a5: {  	s0 =	simm.s32 @!p0 $0x5  }
0x2a6: {  	_ =	swait.ge @!p0 [sflag:s0], s1  }
0x2a7: {  	s1 =	ssub.s32 @!p0 $0x0, s1;
	[sflag:s0] =	ssyncset.done @!p0 $0x0  }
0x2a8: {  	[sflag:s0] =	ssyncadd.s32 @!p0 s1  }
0x2a9: {  	[bflag:$0x3] =	sbarrier.arrive $0xFFFF  }
0x2aa: {  	_ =	shalt  }

</sc_bundles>
